<compile_context>
chip_gen: v7x
topology: tpu7x:2x2x1
jax: 0.10.2.dev20260603
libtpu: 0.0.44.dev20260713+nightly
codegen_flags: <defaults>
</compile_context>

<pallas_src>
import functools

import jax
import jax.numpy as jnp
from jax import lax
from jax.experimental import pallas as pl
from jax.experimental.pallas import tpu as pltpu
from jax.experimental.pallas import tpu_sc as plsc

_NUM_EXPERTS = 64
_TOP_K = 2
_BLOCK_T = 4096

_NUM_WORKERS = 32
_LANES = 16


def _router_body(x_ref, w_ref, logits_ref, aff_ref):
    x = x_ref[...]
    w = w_ref[...]
    logits = jnp.dot(x, w, preferred_element_type=jnp.float32)
    logits_ref[...] = logits

    m0 = jnp.max(logits, axis=1, keepdims=True)
    e = jnp.exp(logits - m0)
    s = jnp.sum(e, axis=1, keepdims=True)
    aff_ref[...] = e / s


def _sc_topk_body(aff_hbm, idx_hbm, aff_v, out_v):
    c = lax.axis_index("c")
    s = lax.axis_index("s")
    wid = s * 2 + c
    t_per_w = aff_v.shape[0] // _NUM_EXPERTS
    base = wid * t_per_w
    pltpu.sync_copy(aff_hbm.at[pl.ds(base * _NUM_EXPERTS, aff_v.shape[0])],
                    aff_v)

    lanes = lax.iota(jnp.int32, _LANES)

    def group_body(g, carry):
        row = g * _LANES + lanes
        addr = row * _NUM_EXPERTS
        m0 = jnp.full((_LANES,), -jnp.inf, jnp.float32)
        m1 = jnp.full((_LANES,), -jnp.inf, jnp.float32)
        i0 = jnp.zeros((_LANES,), jnp.int32)
        i1 = jnp.zeros((_LANES,), jnp.int32)
        for e in range(_NUM_EXPERTS):
            col = jnp.full((_LANES,), e, jnp.int32)
            v = plsc.load_gather(aff_v, [addr + e])
            gt0 = v > m0
            gt1 = v > m1
            m1 = jnp.where(gt0, m0, jnp.where(gt1, v, m1))
            i1 = jnp.where(gt0, i0, jnp.where(gt1, col, i1))
            m0 = jnp.where(gt0, v, m0)
            i0 = jnp.where(gt0, col, i0)
        plsc.store_scatter(out_v, [row * _TOP_K], i0)
        plsc.store_scatter(out_v, [row * _TOP_K + 1], i1)
        return carry

    lax.fori_loop(0, t_per_w // _LANES, group_body, 0)
    pltpu.sync_copy(out_v, idx_hbm.at[pl.ds(base * _TOP_K, out_v.shape[0])])


def kernel(hidden_states, W):
    Bq, Sq, D = hidden_states.shape
    T = Bq * Sq
    x = hidden_states.reshape(T, D)
    E = W.shape[1]

    grid = (T // _BLOCK_T,)
    logits, aff = pl.pallas_call(
        _router_body,
        grid=grid,
        in_specs=[
            pl.BlockSpec((_BLOCK_T, D), lambda i: (i, 0)),
            pl.BlockSpec((D, E), lambda i: (0, 0)),
        ],
        out_specs=[
            pl.BlockSpec((_BLOCK_T, E), lambda i: (i, 0)),
            pl.BlockSpec((_BLOCK_T, E), lambda i: (i, 0)),
        ],
        out_shape=[
            jax.ShapeDtypeStruct((T, E), jnp.float32),
            jax.ShapeDtypeStruct((T, E), jnp.float32),
        ],
    )(x, W)

    t_per_w = T // _NUM_WORKERS
    mesh = plsc.VectorSubcoreMesh(core_axis_name="c", subcore_axis_name="s")
    sc_topk = functools.partial(
        pl.kernel,
        mesh=mesh,
        compiler_params=pltpu.CompilerParams(needs_layout_passes=False),
        out_type=jax.ShapeDtypeStruct((T * _TOP_K,), jnp.int32),
        scratch_types=[
            pltpu.VMEM((t_per_w * E,), jnp.float32),
            pltpu.VMEM((t_per_w * _TOP_K,), jnp.int32),
        ],
    )(_sc_topk_body)
    expert_index = sc_topk(aff.reshape(-1)).reshape(T, _TOP_K)

    return logits, aff, expert_index

# --- scband reference (transcript-rebuilt; emitter-appended) ---
"""Pipeline reference for scband-router-mo-eclass-22995254902986 (READ-ONLY COPY).

The authoritative reference and input builder live on the scoring server;
editing this copy changes nothing except your own understanding.
"""

import jax, jax.numpy as jnp
import numpy as np

NUM_EXPERTS = 64
TOP_K = 2
HIDDEN = 768
B = 4
S = 8192

def setup_inputs(seed: int = 0) -> dict:
    key = jax.random.key(seed)
    k1, k2 = jax.random.split(key)
    hidden_states = jax.random.normal(k1, (B, S, HIDDEN), dtype=jnp.float32)
    W = jax.random.normal(k2, (HIDDEN, NUM_EXPERTS), dtype=jnp.float32) * 0.02
    return {"hidden_states": hidden_states, "W": W}

def reference(hidden_states, W):
    # RouterTopK forward (sequence_parallel_enabled=False path):
    #  1) flatten tokens, cast to router dtype (float32)
    #  2) linear projection -> router_logits [T, E]
    #  3) act_fn=softmax over experts -> expert_affinities [T, E]
    #  4) top-k over affinities -> expert_index [T, top_k]
    Bq, Sq, D = hidden_states.shape
    x = hidden_states.reshape(-1, D).astype(jnp.float32)
    router_logits = x @ W
    expert_affinities = jax.nn.softmax(router_logits, axis=-1)
    _, expert_index = jax.lax.top_k(expert_affinities, TOP_K)
    return router_logits, expert_affinities, expert_index.astype(jnp.int32)

if __name__ == "__main__":
    import jax
    _d = setup_inputs()
    print(jax.jit(kernel)(*tuple(_d.values())))

</pallas_src>

<mosaic_0001>
#map = affine_map<(d0, d1) -> (0)>
module attributes {stable_mosaic.version = 14 : i64} {
  func.func @_sc_topk_body(%arg0: i32, %arg1: i32, %arg2: memref<2097152xf32, #tpu.memory_space<hbm>>, %arg3: memref<65536xi32, #tpu.memory_space<hbm>>, %arg4: memref<65536xf32, #tpu.memory_space<vmem>>, %arg5: memref<2048xi32, #tpu.memory_space<vmem>>) attributes {dimension_semantics = [#tpu.dimension_semantics<core_parallel>, #tpu.dimension_semantics<subcore_parallel>], iteration_bounds = array<i64: 2, 16>, scalar_prefetch = 0 : i64, scratch_operands = 2 : i64, tpu.core_type = #tpu.core_type<sc_vector_subcore>, window_params = [{transform_indices = #map}, {transform_indices = #map}]} {
    %mul3A = arith.constant 2 : i32
    %mul3A_0 = arith.muli %arg1, %mul3A : i32
    %add3A = arith.addi %mul3A_0, %arg0 : i32
    %mul3A_1 = arith.constant 1024 : i32
    %mul3A_2 = arith.muli %add3A, %mul3A_1 : i32
    %mul3A_3 = arith.constant 64 : i32
    %mul3A_4 = arith.muli %mul3A_2, %mul3A_3 : i32
    "tpu.region"() ({
      %run_scoped3A = tpu.sem_alloc : memref<!tpu.dma_semaphore, #tpu.memory_space<semaphore_mem>>
      %dma_start3A = tpu.memref_slice %arg2[%mul3A_4] : memref<2097152xf32, #tpu.memory_space<hbm>> -> memref<65536xf32, #tpu.memory_space<hbm>>
      %dma_start3A_12 = tpu.memref_slice %arg2[%mul3A_4] : memref<2097152xf32, #tpu.memory_space<hbm>> -> memref<65536xf32, #tpu.memory_space<hbm>>
      tpu.enqueue_dma source(%dma_start3A_12 : memref<65536xf32, #tpu.memory_space<hbm>>) target(%arg4 : memref<65536xf32, #tpu.memory_space<vmem>>) target_semaphore(%run_scoped3A : memref<!tpu.dma_semaphore, #tpu.memory_space<semaphore_mem>>)
      %dma_wait3A = tpu.memref_slice %arg2[%mul3A_4] : memref<2097152xf32, #tpu.memory_space<hbm>> -> memref<65536xf32, #tpu.memory_space<hbm>>
      %dma_wait3A_13 = tpu.memref_slice %arg2[%mul3A_4] : memref<2097152xf32, #tpu.memory_space<hbm>> -> memref<65536xf32, #tpu.memory_space<hbm>>
      tpu.wait_dma2 semaphore(%run_scoped3A : memref<!tpu.dma_semaphore, #tpu.memory_space<semaphore_mem>>) src(%dma_wait3A_13 : memref<65536xf32, #tpu.memory_space<hbm>>) dst(%arg4 : memref<65536xf32, #tpu.memory_space<vmem>>)
      tpu.yield
    }) : () -> ()
    %iota3A = tpu.iota {dimensions = array<i32: 0>} : vector<16xi32>
    %scan3A = arith.constant 0 : i32
    %scan3A_5 = arith.constant 0 : i32
    %scan3A_6 = arith.constant 64 : i32
    %scan3A_7 = arith.addi %scan3A_5, %scan3A_6 : i32
    %scan3A_8 = arith.constant 1 : i32
    scf.for %scan3A_12 = %scan3A_5 to %scan3A_7 step %scan3A_8  : i32 {
      %mul3A_13 = arith.constant 16 : i32
      %mul3A_14 = arith.muli %scan3A_12, %mul3A_13 : i32
      %add3A_15 = vector.broadcast %mul3A_14 : i32 to vector<16xi32>
      %add3A_16 = arith.addi %add3A_15, %iota3A : vector<16xi32>
      %mul3A_17 = arith.constant 64 : i32
      %mul3A_18 = vector.broadcast %mul3A_17 : i32 to vector<16xi32>
      %mul3A_19 = arith.muli %add3A_16, %mul3A_18 : vector<16xi32>
      %broadcast_in_dim3A = arith.constant 0xFF800000 : f32
      %broadcast_in_dim3A_20 = vector.broadcast %broadcast_in_dim3A : f32 to vector<16xf32>
      %broadcast_in_dim3A_21 = arith.constant 0xFF800000 : f32
      %broadcast_in_dim3A_22 = vector.broadcast %broadcast_in_dim3A_21 : f32 to vector<16xf32>
      %broadcast_in_dim3A_23 = arith.constant 0 : i32
      %broadcast_in_dim3A_24 = vector.broadcast %broadcast_in_dim3A_23 : i32 to vector<16xi32>
      %broadcast_in_dim3A_25 = arith.constant 0 : i32
      %broadcast_in_dim3A_26 = vector.broadcast %broadcast_in_dim3A_25 : i32 to vector<16xi32>
      %broadcast_in_dim3A_27 = arith.constant 0 : i32
      %broadcast_in_dim3A_28 = vector.broadcast %broadcast_in_dim3A_27 : i32 to vector<16xi32>
      %add3A_29 = arith.constant 0 : i32
      %add3A_30 = vector.broadcast %add3A_29 : i32 to vector<16xi32>
      %add3A_31 = arith.addi %mul3A_19, %add3A_30 : vector<16xi32>
      %gather3A = tpu.vector_load_idx %arg4[%add3A_31] : memref<65536xf32, #tpu.memory_space<vmem>>[vector<16xi32>], vector<16xf32>,
      %gt3A = arith.cmpf ogt, %gather3A, %broadcast_in_dim3A_20 : vector<16xf32>
      %gt3A_32 = arith.cmpf ogt, %gather3A, %broadcast_in_dim3A_22 : vector<16xf32>
      %select_n3A = arith.select %gt3A_32, %gather3A, %broadcast_in_dim3A_22 : vector<16xi1>, vector<16xf32>
      %select_n3A_33 = arith.select %gt3A, %broadcast_in_dim3A_20, %select_n3A : vector<16xi1>, vector<16xf32>
      %select_n3A_34 = arith.select %gt3A_32, %broadcast_in_dim3A_28, %broadcast_in_dim3A_26 : vector<16xi1>, vector<16xi32>
      %select_n3A_35 = arith.select %gt3A, %broadcast_in_dim3A_24, %select_n3A_34 : vector<16xi1>, vector<16xi32>
      %select_n3A_36 = arith.select %gt3A, %gather3A, %broadcast_in_dim3A_20 : vector<16xi1>, vector<16xf32>
      %select_n3A_37 = arith.select %gt3A, %broadcast_in_dim3A_28, %broadcast_in_dim3A_24 : vector<16xi1>, vector<16xi32>
      %broadcast_in_dim3A_38 = arith.constant 1 : i32
      %broadcast_in_dim3A_39 = vector.broadcast %broadcast_in_dim3A_38 : i32 to vector<16xi32>
      %add3A_40 = arith.constant 1 : i32
      %add3A_41 = vector.broadcast %add3A_40 : i32 to vector<16xi32>
      %add3A_42 = arith.addi %mul3A_19, %add3A_41 : vector<16xi32>
      %gather3A_43 = tpu.vector_load_idx %arg4[%add3A_42] : memref<65536xf32, #tpu.memory_space<vmem>>[vector<16xi32>], vector<16xf32>,
      %gt3A_44 = arith.cmpf ogt, %gather3A_43, %select_n3A_36 : vector<16xf32>
      %gt3A_45 = arith.cmpf ogt, %gather3A_43, %select_n3A_33 : vector<16xf32>
      %select_n3A_46 = arith.select %gt3A_45, %gather3A_43, %select_n3A_33 : vector<16xi1>, vector<16xf32>
      %select_n3A_47 = arith.select %gt3A_44, %select_n3A_36, %select_n3A_46 : vector<16xi1>, vector<16xf32>
      %select_n3A_48 = arith.select %gt3A_45, %broadcast_in_dim3A_39, %select_n3A_35 : vector<16xi1>, vector<16xi32>
      %select_n3A_49 = arith.select %gt3A_44, %select_n3A_37, %select_n3A_48 : vector<16xi1>, vector<16xi32>
      %select_n3A_50 = arith.select %gt3A_44, %gather3A_43, %select_n3A_36 : vector<16xi1>, vector<16xf32>
      %select_n3A_51 = arith.select %gt3A_44, %broadcast_in_dim3A_39, %select_n3A_37 : vector<16xi1>, vector<16xi32>
      %broadcast_in_dim3A_52 = arith.constant 2 : i32
      %broadcast_in_dim3A_53 = vector.broadcast %broadcast_in_dim3A_52 : i32 to vector<16xi32>
      %add3A_54 = arith.constant 2 : i32
      %add3A_55 = vector.broadcast %add3A_54 : i32 to vector<16xi32>
      %add3A_56 = arith.addi %mul3A_19, %add3A_55 : vector<16xi32>
      %gather3A_57 = tpu.vector_load_idx %arg4[%add3A_56] : memref<65536xf32, #tpu.memory_space<vmem>>[vector<16xi32>], vector<16xf32>,
      %gt3A_58 = arith.cmpf ogt, %gather3A_57, %select_n3A_50 : vector<16xf32>
      %gt3A_59 = arith.cmpf ogt, %gather3A_57, %select_n3A_47 : vector<16xf32>
      %select_n3A_60 = arith.select %gt3A_59, %gather3A_57, %select_n3A_47 : vector<16xi1>, vector<16xf32>
      %select_n3A_61 = arith.select %gt3A_58, %select_n3A_50, %select_n3A_60 : vector<16xi1>, vector<16xf32>
      %select_n3A_62 = arith.select %gt3A_59, %broadcast_in_dim3A_53, %select_n3A_49 : vector<16xi1>, vector<16xi32>
      %select_n3A_63 = arith.select %gt3A_58, %select_n3A_51, %select_n3A_62 : vector<16xi1>, vector<16xi32>
      %select_n3A_64 = arith.select %gt3A_58, %gather3A_57, %select_n3A_50 : vector<16xi1>, vector<16xf32>
      %select_n3A_65 = arith.select %gt3A_58, %broadcast_in_dim3A_53, %select_n3A_51 : vector<16xi1>, vector<16xi32>
      %broadcast_in_dim3A_66 = arith.constant 3 : i32
      %broadcast_in_dim3A_67 = vector.broadcast %broadcast_in_dim3A_66 : i32 to vector<16xi32>
      %add3A_68 = arith.constant 3 : i32
      %add3A_69 = vector.broadcast %add3A_68 : i32 to vector<16xi32>
      %add3A_70 = arith.addi %mul3A_19, %add3A_69 : vector<16xi32>
      %gather3A_71 = tpu.vector_load_idx %arg4[%add3A_70] : memref<65536xf32, #tpu.memory_space<vmem>>[vector<16xi32>], vector<16xf32>,
      %gt3A_72 = arith.cmpf ogt, %gather3A_71, %select_n3A_64 : vector<16xf32>
      %gt3A_73 = arith.cmpf ogt, %gather3A_71, %select_n3A_61 : vector<16xf32>
      %select_n3A_74 = arith.select %gt3A_73, %gather3A_71, %select_n3A_61 : vector<16xi1>, vector<16xf32>
      %select_n3A_75 = arith.select %gt3A_72, %select_n3A_64, %select_n3A_74 : vector<16xi1>, vector<16xf32>
      %select_n3A_76 = arith.select %gt3A_73, %broadcast_in_dim3A_67, %select_n3A_63 : vector<16xi1>, vector<16xi32>
      %select_n3A_77 = arith.select %gt3A_72, %select_n3A_65, %select_n3A_76 : vector<16xi1>, vector<16xi32>
      %select_n3A_78 = arith.select %gt3A_72, %gather3A_71, %select_n3A_64 : vector<16xi1>, vector<16xf32>
      %select_n3A_79 = arith.select %gt3A_72, %broadcast_in_dim3A_67, %select_n3A_65 : vector<16xi1>, vector<16xi32>
      %broadcast_in_dim3A_80 = arith.constant 4 : i32
      %broadcast_in_dim3A_81 = vector.broadcast %broadcast_in_dim3A_80 : i32 to vector<16xi32>
      %add3A_82 = arith.constant 4 : i32
      %add3A_83 = vector.broadcast %add3A_82 : i32 to vector<16xi32>
      %add3A_84 = arith.addi %mul3A_19, %add3A_83 : vector<16xi32>
      %gather3A_85 = tpu.vector_load_idx %arg4[%add3A_84] : memref<65536xf32, #tpu.memory_space<vmem>>[vector<16xi32>], vector<16xf32>,
      %gt3A_86 = arith.cmpf ogt, %gather3A_85, %select_n3A_78 : vector<16xf32>
      %gt3A_87 = arith.cmpf ogt, %gather3A_85, %select_n3A_75 : vector<16xf32>
      %select_n3A_88 = arith.select %gt3A_87, %gather3A_85, %select_n3A_75 : vector<16xi1>, vector<16xf32>
      %select_n3A_89 = arith.select %gt3A_86, %select_n3A_78, %select_n3A_88 : vector<16xi1>, vector<16xf32>
      %select_n3A_90 = arith.select %gt3A_87, %broadcast_in_dim3A_81, %select_n3A_77 : vector<16xi1>, vector<16xi32>
      %select_n3A_91 = arith.select %gt3A_86, %select_n3A_79, %select_n3A_90 : vector<16xi1>, vector<16xi32>
      %select_n3A_92 = arith.select %gt3A_86, %gather3A_85, %select_n3A_78 : vector<16xi1>, vector<16xf32>
      %select_n3A_93 = arith.select %gt3A_86, %broadcast_in_dim3A_81, %select_n3A_79 : vector<16xi1>, vector<16xi32>
      %broadcast_in_dim3A_94 = arith.constant 5 : i32
      %broadcast_in_dim3A_95 = vector.broadcast %broadcast_in_dim3A_94 : i32 to vector<16xi32>
      %add3A_96 = arith.constant 5 : i32
      %add3A_97 = vector.broadcast %add3A_96 : i32 to vector<16xi32>
      %add3A_98 = arith.addi %mul3A_19, %add3A_97 : vector<16xi32>
      %gather3A_99 = tpu.vector_load_idx %arg4[%add3A_98] : memref<65536xf32, #tpu.memory_space<vmem>>[vector<16xi32>], vector<16xf32>,
      %gt3A_100 = arith.cmpf ogt, %gather3A_99, %select_n3A_92 : vector<16xf32>
      %gt3A_101 = arith.cmpf ogt, %gather3A_99, %select_n3A_89 : vector<16xf32>
      %select_n3A_102 = arith.select %gt3A_101, %gather3A_99, %select_n3A_89 : vector<16xi1>, vector<16xf32>
      %select_n3A_103 = arith.select %gt3A_100, %select_n3A_92, %select_n3A_102 : vector<16xi1>, vector<16xf32>
      %select_n3A_104 = arith.select %gt3A_101, %broadcast_in_dim3A_95, %select_n3A_91 : vector<16xi1>, vector<16xi32>
      %select_n3A_105 = arith.select %gt3A_100, %select_n3A_93, %select_n3A_104 : vector<16xi1>, vector<16xi32>
      %select_n3A_106 = arith.select %gt3A_100, %gather3A_99, %select_n3A_92 : vector<16xi1>, vector<16xf32>
      %select_n3A_107 = arith.select %gt3A_100, %broadcast_in_dim3A_95, %select_n3A_93 : vector<16xi1>, vector<16xi32>
      %broadcast_in_dim3A_108 = arith.constant 6 : i32
      %broadcast_in_dim3A_109 = vector.broadcast %broadcast_in_dim3A_108 : i32 to vector<16xi32>
      %add3A_110 = arith.constant 6 : i32
      %add3A_111 = vector.broadcast %add3A_110 : i32 to vector<16xi32>
      %add3A_112 = arith.addi %mul3A_19, %add3A_111 : vector<16xi32>
      %gather3A_113 = tpu.vector_load_idx %arg4[%add3A_112] : memref<65536xf32, #tpu.memory_space<vmem>>[vector<16xi32>], vector<16xf32>,
      %gt3A_114 = arith.cmpf ogt, %gather3A_113, %select_n3A_106 : vector<16xf32>
      %gt3A_115 = arith.cmpf ogt, %gather3A_113, %select_n3A_103 : vector<16xf32>
      %select_n3A_116 = arith.select %gt3A_115, %gather3A_113, %select_n3A_103 : vector<16xi1>, vector<16xf32>
      %select_n3A_117 = arith.select %gt3A_114, %select_n3A_106, %select_n3A_116 : vector<16xi1>, vector<16xf32>
      %select_n3A_118 = arith.select %gt3A_115, %broadcast_in_dim3A_109, %select_n3A_105 : vector<16xi1>, vector<16xi32>
      %select_n3A_119 = arith.select %gt3A_114, %select_n3A_107, %select_n3A_118 : vector<16xi1>, vector<16xi32>
      %select_n3A_120 = arith.select %gt3A_114, %gather3A_113, %select_n3A_106 : vector<16xi1>, vector<16xf32>
      %select_n3A_121 = arith.select %gt3A_114, %broadcast_in_dim3A_109, %select_n3A_107 : vector<16xi1>, vector<16xi32>
      %broadcast_in_dim3A_122 = arith.constant 7 : i32
      %broadcast_in_dim3A_123 = vector.broadcast %broadcast_in_dim3A_122 : i32 to vector<16xi32>
      %add3A_124 = arith.constant 7 : i32
      %add3A_125 = vector.broadcast %add3A_124 : i32 to vector<16xi32>
      %add3A_126 = arith.addi %mul3A_19, %add3A_125 : vector<16xi32>
      %gather3A_127 = tpu.vector_load_idx %arg4[%add3A_126] : memref<65536xf32, #tpu.memory_space<vmem>>[vector<16xi32>], vector<16xf32>,
      %gt3A_128 = arith.cmpf ogt, %gather3A_127, %select_n3A_120 : vector<16xf32>
      %gt3A_129 = arith.cmpf ogt, %gather3A_127, %select_n3A_117 : vector<16xf32>
      %select_n3A_130 = arith.select %gt3A_129, %gather3A_127, %select_n3A_117 : vector<16xi1>, vector<16xf32>
      %select_n3A_131 = arith.select %gt3A_128, %select_n3A_120, %select_n3A_130 : vector<16xi1>, vector<16xf32>
      %select_n3A_132 = arith.select %gt3A_129, %broadcast_in_dim3A_123, %select_n3A_119 : vector<16xi1>, vector<16xi32>
      %select_n3A_133 = arith.select %gt3A_128, %select_n3A_121, %select_n3A_132 : vector<16xi1>, vector<16xi32>
      %select_n3A_134 = arith.select %gt3A_128, %gather3A_127, %select_n3A_120 : vector<16xi1>, vector<16xf32>
      %select_n3A_135 = arith.select %gt3A_128, %broadcast_in_dim3A_123, %select_n3A_121 : vector<16xi1>, vector<16xi32>
      %broadcast_in_dim3A_136 = arith.constant 8 : i32
      %broadcast_in_dim3A_137 = vector.broadcast %broadcast_in_dim3A_136 : i32 to vector<16xi32>
      %add3A_138 = arith.constant 8 : i32
      %add3A_139 = vector.broadcast %add3A_138 : i32 to vector<16xi32>
      %add3A_140 = arith.addi %mul3A_19, %add3A_139 : vector<16xi32>
      %gather3A_141 = tpu.vector_load_idx %arg4[%add3A_140] : memref<65536xf32, #tpu.memory_space<vmem>>[vector<16xi32>], vector<16xf32>,
      %gt3A_142 = arith.cmpf ogt, %gather3A_141, %select_n3A_134 : vector<16xf32>
      %gt3A_143 = arith.cmpf ogt, %gather3A_141, %select_n3A_131 : vector<16xf32>
      %select_n3A_144 = arith.select %gt3A_143, %gather3A_141, %select_n3A_131 : vector<16xi1>, vector<16xf32>
      %select_n3A_145 = arith.select %gt3A_142, %select_n3A_134, %select_n3A_144 : vector<16xi1>, vector<16xf32>
      %select_n3A_146 = arith.select %gt3A_143, %broadcast_in_dim3A_137, %select_n3A_133 : vector<16xi1>, vector<16xi32>
      %select_n3A_147 = arith.select %gt3A_142, %select_n3A_135, %select_n3A_146 : vector<16xi1>, vector<16xi32>
      %select_n3A_148 = arith.select %gt3A_142, %gather3A_141, %select_n3A_134 : vector<16xi1>, vector<16xf32>
      %select_n3A_149 = arith.select %gt3A_142, %broadcast_in_dim3A_137, %select_n3A_135 : vector<16xi1>, vector<16xi32>
      %broadcast_in_dim3A_150 = arith.constant 9 : i32
      %broadcast_in_dim3A_151 = vector.broadcast %broadcast_in_dim3A_150 : i32 to vector<16xi32>
      %add3A_152 = arith.constant 9 : i32
      %add3A_153 = vector.broadcast %add3A_152 : i32 to vector<16xi32>
      %add3A_154 = arith.addi %mul3A_19, %add3A_153 : vector<16xi32>
      %gather3A_155 = tpu.vector_load_idx %arg4[%add3A_154] : memref<65536xf32, #tpu.memory_space<vmem>>[vector<16xi32>], vector<16xf32>,
      %gt3A_156 = arith.cmpf ogt, %gather3A_155, %select_n3A_148 : vector<16xf32>
      %gt3A_157 = arith.cmpf ogt, %gather3A_155, %select_n3A_145 : vector<16xf32>
      %select_n3A_158 = arith.select %gt3A_157, %gather3A_155, %select_n3A_145 : vector<16xi1>, vector<16xf32>
      %select_n3A_159 = arith.select %gt3A_156, %select_n3A_148, %select_n3A_158 : vector<16xi1>, vector<16xf32>
      %select_n3A_160 = arith.select %gt3A_157, %broadcast_in_dim3A_151, %select_n3A_147 : vector<16xi1>, vector<16xi32>
      %select_n3A_161 = arith.select %gt3A_156, %select_n3A_149, %select_n3A_160 : vector<16xi1>, vector<16xi32>
      %select_n3A_162 = arith.select %gt3A_156, %gather3A_155, %select_n3A_148 : vector<16xi1>, vector<16xf32>
      %select_n3A_163 = arith.select %gt3A_156, %broadcast_in_dim3A_151, %select_n3A_149 : vector<16xi1>, vector<16xi32>
      %broadcast_in_dim3A_164 = arith.constant 10 : i32
      %broadcast_in_dim3A_165 = vector.broadcast %broadcast_in_dim3A_164 : i32 to vector<16xi32>
      %add3A_166 = arith.constant 10 : i32
      %add3A_167 = vector.broadcast %add3A_166 : i32 to vector<16xi32>
      %add3A_168 = arith.addi %mul3A_19, %add3A_167 : vector<16xi32>
      %gather3A_169 = tpu.vector_load_idx %arg4[%add3A_168] : memref<65536xf32, #tpu.memory_space<vmem>>[vector<16xi32>], vector<16xf32>,
      %gt3A_170 = arith.cmpf ogt, %gather3A_169, %select_n3A_162 : vector<16xf32>
      %gt3A_171 = arith.cmpf ogt, %gather3A_169, %select_n3A_159 : vector<16xf32>
      %select_n3A_172 = arith.select %gt3A_171, %gather3A_169, %select_n3A_159 : vector<16xi1>, vector<16xf32>
      %select_n3A_173 = arith.select %gt3A_170, %select_n3A_162, %select_n3A_172 : vector<16xi1>, vector<16xf32>
      %select_n3A_174 = arith.select %gt3A_171, %broadcast_in_dim3A_165, %select_n3A_161 : vector<16xi1>, vector<16xi32>
      %select_n3A_175 = arith.select %gt3A_170, %select_n3A_163, %select_n3A_174 : vector<16xi1>, vector<16xi32>
      %select_n3A_176 = arith.select %gt3A_170, %gather3A_169, %select_n3A_162 : vector<16xi1>, vector<16xf32>
      %select_n3A_177 = arith.select %gt3A_170, %broadcast_in_dim3A_165, %select_n3A_163 : vector<16xi1>, vector<16xi32>
      %broadcast_in_dim3A_178 = arith.constant 11 : i32
      %broadcast_in_dim3A_179 = vector.broadcast %broadcast_in_dim3A_178 : i32 to vector<16xi32>
      %add3A_180 = arith.constant 11 : i32
      %add3A_181 = vector.broadcast %add3A_180 : i32 to vector<16xi32>
      %add3A_182 = arith.addi %mul3A_19, %add3A_181 : vector<16xi32>
      %gather3A_183 = tpu.vector_load_idx %arg4[%add3A_182] : memref<65536xf32, #tpu.memory_space<vmem>>[vector<16xi32>], vector<16xf32>,
      %gt3A_184 = arith.cmpf ogt, %gather3A_183, %select_n3A_176 : vector<16xf32>
      %gt3A_185 = arith.cmpf ogt, %gather3A_183, %select_n3A_173 : vector<16xf32>
      %select_n3A_186 = arith.select %gt3A_185, %gather3A_183, %select_n3A_173 : vector<16xi1>, vector<16xf32>
      %select_n3A_187 = arith.select %gt3A_184, %select_n3A_176, %select_n3A_186 : vector<16xi1>, vector<16xf32>
      %select_n3A_188 = arith.select %gt3A_185, %broadcast_in_dim3A_179, %select_n3A_175 : vector<16xi1>, vector<16xi32>
      %select_n3A_189 = arith.select %gt3A_184, %select_n3A_177, %select_n3A_188 : vector<16xi1>, vector<16xi32>
      %select_n3A_190 = arith.select %gt3A_184, %gather3A_183, %select_n3A_176 : vector<16xi1>, vector<16xf32>
      %select_n3A_191 = arith.select %gt3A_184, %broadcast_in_dim3A_179, %select_n3A_177 : vector<16xi1>, vector<16xi32>
      %broadcast_in_dim3A_192 = arith.constant 12 : i32
      %broadcast_in_dim3A_193 = vector.broadcast %broadcast_in_dim3A_192 : i32 to vector<16xi32>
      %add3A_194 = arith.constant 12 : i32
      %add3A_195 = vector.broadcast %add3A_194 : i32 to vector<16xi32>
      %add3A_196 = arith.addi %mul3A_19, %add3A_195 : vector<16xi32>
      %gather3A_197 = tpu.vector_load_idx %arg4[%add3A_196] : memref<65536xf32, #tpu.memory_space<vmem>>[vector<16xi32>], vector<16xf32>,
      %gt3A_198 = arith.cmpf ogt, %gather3A_197, %select_n3A_190 : vector<16xf32>
      %gt3A_199 = arith.cmpf ogt, %gather3A_197, %select_n3A_187 : vector<16xf32>
      %select_n3A_200 = arith.select %gt3A_199, %gather3A_197, %select_n3A_187 : vector<16xi1>, vector<16xf32>
      %select_n3A_201 = arith.select %gt3A_198, %select_n3A_190, %select_n3A_200 : vector<16xi1>, vector<16xf32>
      %select_n3A_202 = arith.select %gt3A_199, %broadcast_in_dim3A_193, %select_n3A_189 : vector<16xi1>, vector<16xi32>
      %select_n3A_203 = arith.select %gt3A_198, %select_n3A_191, %select_n3A_202 : vector<16xi1>, vector<16xi32>
      %select_n3A_204 = arith.select %gt3A_198, %gather3A_197, %select_n3A_190 : vector<16xi1>, vector<16xf32>
      %select_n3A_205 = arith.select %gt3A_198, %broadcast_in_dim3A_193, %select_n3A_191 : vector<16xi1>, vector<16xi32>
      %broadcast_in_dim3A_206 = arith.constant 13 : i32
      %broadcast_in_dim3A_207 = vector.broadcast %broadcast_in_dim3A_206 : i32 to vector<16xi32>
      %add3A_208 = arith.constant 13 : i32
      %add3A_209 = vector.broadcast %add3A_208 : i32 to vector<16xi32>
      %add3A_210 = arith.addi %mul3A_19, %add3A_209 : vector<16xi32>
      %gather3A_211 = tpu.vector_load_idx %arg4[%add3A_210] : memref<65536xf32, #tpu.memory_space<vmem>>[vector<16xi32>], vector<16xf32>,
      %gt3A_212 = arith.cmpf ogt, %gather3A_211, %select_n3A_204 : vector<16xf32>
      %gt3A_213 = arith.cmpf ogt, %gather3A_211, %select_n3A_201 : vector<16xf32>
      %select_n3A_214 = arith.select %gt3A_213, %gather3A_211, %select_n3A_201 : vector<16xi1>, vector<16xf32>
      %select_n3A_215 = arith.select %gt3A_212, %select_n3A_204, %select_n3A_214 : vector<16xi1>, vector<16xf32>
      %select_n3A_216 = arith.select %gt3A_213, %broadcast_in_dim3A_207, %select_n3A_203 : vector<16xi1>, vector<16xi32>
      %select_n3A_217 = arith.select %gt3A_212, %select_n3A_205, %select_n3A_216 : vector<16xi1>, vector<16xi32>
      %select_n3A_218 = arith.select %gt3A_212, %gather3A_211, %select_n3A_204 : vector<16xi1>, vector<16xf32>
      %select_n3A_219 = arith.select %gt3A_212, %broadcast_in_dim3A_207, %select_n3A_205 : vector<16xi1>, vector<16xi32>
      %broadcast_in_dim3A_220 = arith.constant 14 : i32
      %broadcast_in_dim3A_221 = vector.broadcast %broadcast_in_dim3A_220 : i32 to vector<16xi32>
      %add3A_222 = arith.constant 14 : i32
      %add3A_223 = vector.broadcast %add3A_222 : i32 to vector<16xi32>
      %add3A_224 = arith.addi %mul3A_19, %add3A_223 : vector<16xi32>
      %gather3A_225 = tpu.vector_load_idx %arg4[%add3A_224] : memref<65536xf32, #tpu.memory_space<vmem>>[vector<16xi32>], vector<16xf32>,
      %gt3A_226 = arith.cmpf ogt, %gather3A_225, %select_n3A_218 : vector<16xf32>
      %gt3A_227 = arith.cmpf ogt, %gather3A_225, %select_n3A_215 : vector<16xf32>
      %select_n3A_228 = arith.select %gt3A_227, %gather3A_225, %select_n3A_215 : vector<16xi1>, vector<16xf32>
      %select_n3A_229 = arith.select %gt3A_226, %select_n3A_218, %select_n3A_228 : vector<16xi1>, vector<16xf32>
      %select_n3A_230 = arith.select %gt3A_227, %broadcast_in_dim3A_221, %select_n3A_217 : vector<16xi1>, vector<16xi32>
      %select_n3A_231 = arith.select %gt3A_226, %select_n3A_219, %select_n3A_230 : vector<16xi1>, vector<16xi32>
      %select_n3A_232 = arith.select %gt3A_226, %gather3A_225, %select_n3A_218 : vector<16xi1>, vector<16xf32>
      %select_n3A_233 = arith.select %gt3A_226, %broadcast_in_dim3A_221, %select_n3A_219 : vector<16xi1>, vector<16xi32>
      %broadcast_in_dim3A_234 = arith.constant 15 : i32
      %broadcast_in_dim3A_235 = vector.broadcast %broadcast_in_dim3A_234 : i32 to vector<16xi32>
      %add3A_236 = arith.constant 15 : i32
      %add3A_237 = vector.broadcast %add3A_236 : i32 to vector<16xi32>
      %add3A_238 = arith.addi %mul3A_19, %add3A_237 : vector<16xi32>
      %gather3A_239 = tpu.vector_load_idx %arg4[%add3A_238] : memref<65536xf32, #tpu.memory_space<vmem>>[vector<16xi32>], vector<16xf32>,
      %gt3A_240 = arith.cmpf ogt, %gather3A_239, %select_n3A_232 : vector<16xf32>
      %gt3A_241 = arith.cmpf ogt, %gather3A_239, %select_n3A_229 : vector<16xf32>
      %select_n3A_242 = arith.select %gt3A_241, %gather3A_239, %select_n3A_229 : vector<16xi1>, vector<16xf32>
      %select_n3A_243 = arith.select %gt3A_240, %select_n3A_232, %select_n3A_242 : vector<16xi1>, vector<16xf32>
      %select_n3A_244 = arith.select %gt3A_241, %broadcast_in_dim3A_235, %select_n3A_231 : vector<16xi1>, vector<16xi32>
      %select_n3A_245 = arith.select %gt3A_240, %select_n3A_233, %select_n3A_244 : vector<16xi1>, vector<16xi32>
      %select_n3A_246 = arith.select %gt3A_240, %gather3A_239, %select_n3A_232 : vector<16xi1>, vector<16xf32>
      %select_n3A_247 = arith.select %gt3A_240, %broadcast_in_dim3A_235, %select_n3A_233 : vector<16xi1>, vector<16xi32>
      %broadcast_in_dim3A_248 = arith.constant 16 : i32
      %broadcast_in_dim3A_249 = vector.broadcast %broadcast_in_dim3A_248 : i32 to vector<16xi32>
      %add3A_250 = arith.constant 16 : i32
      %add3A_251 = vector.broadcast %add3A_250 : i32 to vector<16xi32>
      %add3A_252 = arith.addi %mul3A_19, %add3A_251 : vector<16xi32>
      %gather3A_253 = tpu.vector_load_idx %arg4[%add3A_252] : memref<65536xf32, #tpu.memory_space<vmem>>[vector<16xi32>], vector<16xf32>,
      %gt3A_254 = arith.cmpf ogt, %gather3A_253, %select_n3A_246 : vector<16xf32>
      %gt3A_255 = arith.cmpf ogt, %gather3A_253, %select_n3A_243 : vector<16xf32>
      %select_n3A_256 = arith.select %gt3A_255, %gather3A_253, %select_n3A_243 : vector<16xi1>, vector<16xf32>
      %select_n3A_257 = arith.select %gt3A_254, %select_n3A_246, %select_n3A_256 : vector<16xi1>, vector<16xf32>
      %select_n3A_258 = arith.select %gt3A_255, %broadcast_in_dim3A_249, %select_n3A_245 : vector<16xi1>, vector<16xi32>
      %select_n3A_259 = arith.select %gt3A_254, %select_n3A_247, %select_n3A_258 : vector<16xi1>, vector<16xi32>
      %select_n3A_260 = arith.select %gt3A_254, %gather3A_253, %select_n3A_246 : vector<16xi1>, vector<16xf32>
      %select_n3A_261 = arith.select %gt3A_254, %broadcast_in_dim3A_249, %select_n3A_247 : vector<16xi1>, vector<16xi32>
      %broadcast_in_dim3A_262 = arith.constant 17 : i32
      %broadcast_in_dim3A_263 = vector.broadcast %broadcast_in_dim3A_262 : i32 to vector<16xi32>
      %add3A_264 = arith.constant 17 : i32
      %add3A_265 = vector.broadcast %add3A_264 : i32 to vector<16xi32>
      %add3A_266 = arith.addi %mul3A_19, %add3A_265 : vector<16xi32>
      %gather3A_267 = tpu.vector_load_idx %arg4[%add3A_266] : memref<65536xf32, #tpu.memory_space<vmem>>[vector<16xi32>], vector<16xf32>,
      %gt3A_268 = arith.cmpf ogt, %gather3A_267, %select_n3A_260 : vector<16xf32>
      %gt3A_269 = arith.cmpf ogt, %gather3A_267, %select_n3A_257 : vector<16xf32>
      %select_n3A_270 = arith.select %gt3A_269, %gather3A_267, %select_n3A_257 : vector<16xi1>, vector<16xf32>
      %select_n3A_271 = arith.select %gt3A_268, %select_n3A_260, %select_n3A_270 : vector<16xi1>, vector<16xf32>
      %select_n3A_272 = arith.select %gt3A_269, %broadcast_in_dim3A_263, %select_n3A_259 : vector<16xi1>, vector<16xi32>
      %select_n3A_273 = arith.select %gt3A_268, %select_n3A_261, %select_n3A_272 : vector<16xi1>, vector<16xi32>
      %select_n3A_274 = arith.select %gt3A_268, %gather3A_267, %select_n3A_260 : vector<16xi1>, vector<16xf32>
      %select_n3A_275 = arith.select %gt3A_268, %broadcast_in_dim3A_263, %select_n3A_261 : vector<16xi1>, vector<16xi32>
      %broadcast_in_dim3A_276 = arith.constant 18 : i32
      %broadcast_in_dim3A_277 = vector.broadcast %broadcast_in_dim3A_276 : i32 to vector<16xi32>
      %add3A_278 = arith.constant 18 : i32
      %add3A_279 = vector.broadcast %add3A_278 : i32 to vector<16xi32>
      %add3A_280 = arith.addi %mul3A_19, %add3A_279 : vector<16xi32>
      %gather3A_281 = tpu.vector_load_idx %arg4[%add3A_280] : memref<65536xf32, #tpu.memory_space<vmem>>[vector<16xi32>], vector<16xf32>,
      %gt3A_282 = arith.cmpf ogt, %gather3A_281, %select_n3A_274 : vector<16xf32>
      %gt3A_283 = arith.cmpf ogt, %gather3A_281, %select_n3A_271 : vector<16xf32>
      %select_n3A_284 = arith.select %gt3A_283, %gather3A_281, %select_n3A_271 : vector<16xi1>, vector<16xf32>
      %select_n3A_285 = arith.select %gt3A_282, %select_n3A_274, %select_n3A_284 : vector<16xi1>, vector<16xf32>
      %select_n3A_286 = arith.select %gt3A_283, %broadcast_in_dim3A_277, %select_n3A_273 : vector<16xi1>, vector<16xi32>
      %select_n3A_287 = arith.select %gt3A_282, %select_n3A_275, %select_n3A_286 : vector<16xi1>, vector<16xi32>
      %select_n3A_288 = arith.select %gt3A_282, %gather3A_281, %select_n3A_274 : vector<16xi1>, vector<16xf32>
      %select_n3A_289 = arith.select %gt3A_282, %broadcast_in_dim3A_277, %select_n3A_275 : vector<16xi1>, vector<16xi32>
      %broadcast_in_dim3A_290 = arith.constant 19 : i32
      %broadcast_in_dim3A_291 = vector.broadcast %broadcast_in_dim3A_290 : i32 to vector<16xi32>
      %add3A_292 = arith.constant 19 : i32
      %add3A_293 = vector.broadcast %add3A_292 : i32 to vector<16xi32>
      %add3A_294 = arith.addi %mul3A_19, %add3A_293 : vector<16xi32>
      %gather3A_295 = tpu.vector_load_idx %arg4[%add3A_294] : memref<65536xf32, #tpu.memory_space<vmem>>[vector<16xi32>], vector<16xf32>,
      %gt3A_296 = arith.cmpf ogt, %gather3A_295, %select_n3A_288 : vector<16xf32>
      %gt3A_297 = arith.cmpf ogt, %gather3A_295, %select_n3A_285 : vector<16xf32>
      %select_n3A_298 = arith.select %gt3A_297, %gather3A_295, %select_n3A_285 : vector<16xi1>, vector<16xf32>
      %select_n3A_299 = arith.select %gt3A_296, %select_n3A_288, %select_n3A_298 : vector<16xi1>, vector<16xf32>
      %select_n3A_300 = arith.select %gt3A_297, %broadcast_in_dim3A_291, %select_n3A_287 : vector<16xi1>, vector<16xi32>
      %select_n3A_301 = arith.select %gt3A_296, %select_n3A_289, %select_n3A_300 : vector<16xi1>, vector<16xi32>
      %select_n3A_302 = arith.select %gt3A_296, %gather3A_295, %select_n3A_288 : vector<16xi1>, vector<16xf32>
      %select_n3A_303 = arith.select %gt3A_296, %broadcast_in_dim3A_291, %select_n3A_289 : vector<16xi1>, vector<16xi32>
      %broadcast_in_dim3A_304 = arith.constant 20 : i32
      %broadcast_in_dim3A_305 = vector.broadcast %broadcast_in_dim3A_304 : i32 to vector<16xi32>
      %add3A_306 = arith.constant 20 : i32
      %add3A_307 = vector.broadcast %add3A_306 : i32 to vector<16xi32>
      %add3A_308 = arith.addi %mul3A_19, %add3A_307 : vector<16xi32>
      %gather3A_309 = tpu.vector_load_idx %arg4[%add3A_308] : memref<65536xf32, #tpu.memory_space<vmem>>[vector<16xi32>], vector<16xf32>,
      %gt3A_310 = arith.cmpf ogt, %gather3A_309, %select_n3A_302 : vector<16xf32>
      %gt3A_311 = arith.cmpf ogt, %gather3A_309, %select_n3A_299 : vector<16xf32>
      %select_n3A_312 = arith.select %gt3A_311, %gather3A_309, %select_n3A_299 : vector<16xi1>, vector<16xf32>
      %select_n3A_313 = arith.select %gt3A_310, %select_n3A_302, %select_n3A_312 : vector<16xi1>, vector<16xf32>
      %select_n3A_314 = arith.select %gt3A_311, %broadcast_in_dim3A_305, %select_n3A_301 : vector<16xi1>, vector<16xi32>
      %select_n3A_315 = arith.select %gt3A_310, %select_n3A_303, %select_n3A_314 : vector<16xi1>, vector<16xi32>
      %select_n3A_316 = arith.select %gt3A_310, %gather3A_309, %select_n3A_302 : vector<16xi1>, vector<16xf32>
      %select_n3A_317 = arith.select %gt3A_310, %broadcast_in_dim3A_305, %select_n3A_303 : vector<16xi1>, vector<16xi32>
      %broadcast_in_dim3A_318 = arith.constant 21 : i32
      %broadcast_in_dim3A_319 = vector.broadcast %broadcast_in_dim3A_318 : i32 to vector<16xi32>
      %add3A_320 = arith.constant 21 : i32
      %add3A_321 = vector.broadcast %add3A_320 : i32 to vector<16xi32>
      %add3A_322 = arith.addi %mul3A_19, %add3A_321 : vector<16xi32>
      %gather3A_323 = tpu.vector_load_idx %arg4[%add3A_322] : memref<65536xf32, #tpu.memory_space<vmem>>[vector<16xi32>], vector<16xf32>,
      %gt3A_324 = arith.cmpf ogt, %gather3A_323, %select_n3A_316 : vector<16xf32>
      %gt3A_325 = arith.cmpf ogt, %gather3A_323, %select_n3A_313 : vector<16xf32>
      %select_n3A_326 = arith.select %gt3A_325, %gather3A_323, %select_n3A_313 : vector<16xi1>, vector<16xf32>
      %select_n3A_327 = arith.select %gt3A_324, %select_n3A_316, %select_n3A_326 : vector<16xi1>, vector<16xf32>
      %select_n3A_328 = arith.select %gt3A_325, %broadcast_in_dim3A_319, %select_n3A_315 : vector<16xi1>, vector<16xi32>
      %select_n3A_329 = arith.select %gt3A_324, %select_n3A_317, %select_n3A_328 : vector<16xi1>, vector<16xi32>
      %select_n3A_330 = arith.select %gt3A_324, %gather3A_323, %select_n3A_316 : vector<16xi1>, vector<16xf32>
      %select_n3A_331 = arith.select %gt3A_324, %broadcast_in_dim3A_319, %select_n3A_317 : vector<16xi1>, vector<16xi32>
      %broadcast_in_dim3A_332 = arith.constant 22 : i32
      %broadcast_in_dim3A_333 = vector.broadcast %broadcast_in_dim3A_332 : i32 to vector<16xi32>
      %add3A_334 = arith.constant 22 : i32
      %add3A_335 = vector.broadcast %add3A_334 : i32 to vector<16xi32>
      %add3A_336 = arith.addi %mul3A_19, %add3A_335 : vector<16xi32>
      %gather3A_337 = tpu.vector_load_idx %arg4[%add3A_336] : memref<65536xf32, #tpu.memory_space<vmem>>[vector<16xi32>], vector<16xf32>,
      %gt3A_338 = arith.cmpf ogt, %gather3A_337, %select_n3A_330 : vector<16xf32>
      %gt3A_339 = arith.cmpf ogt, %gather3A_337, %select_n3A_327 : vector<16xf32>
      %select_n3A_340 = arith.select %gt3A_339, %gather3A_337, %select_n3A_327 : vector<16xi1>, vector<16xf32>
      %select_n3A_341 = arith.select %gt3A_338, %select_n3A_330, %select_n3A_340 : vector<16xi1>, vector<16xf32>
      %select_n3A_342 = arith.select %gt3A_339, %broadcast_in_dim3A_333, %select_n3A_329 : vector<16xi1>, vector<16xi32>
      %select_n3A_343 = arith.select %gt3A_338, %select_n3A_331, %select_n3A_342 : vector<16xi1>, vector<16xi32>
      %select_n3A_344 = arith.select %gt3A_338, %gather3A_337, %select_n3A_330 : vector<16xi1>, vector<16xf32>
      %select_n3A_345 = arith.select %gt3A_338, %broadcast_in_dim3A_333, %select_n3A_331 : vector<16xi1>, vector<16xi32>
      %broadcast_in_dim3A_346 = arith.constant 23 : i32
      %broadcast_in_dim3A_347 = vector.broadcast %broadcast_in_dim3A_346 : i32 to vector<16xi32>
      %add3A_348 = arith.constant 23 : i32
      %add3A_349 = vector.broadcast %add3A_348 : i32 to vector<16xi32>
      %add3A_350 = arith.addi %mul3A_19, %add3A_349 : vector<16xi32>
      %gather3A_351 = tpu.vector_load_idx %arg4[%add3A_350] : memref<65536xf32, #tpu.memory_space<vmem>>[vector<16xi32>], vector<16xf32>,
      %gt3A_352 = arith.cmpf ogt, %gather3A_351, %select_n3A_344 : vector<16xf32>
      %gt3A_353 = arith.cmpf ogt, %gather3A_351, %select_n3A_341 : vector<16xf32>
      %select_n3A_354 = arith.select %gt3A_353, %gather3A_351, %select_n3A_341 : vector<16xi1>, vector<16xf32>
      %select_n3A_355 = arith.select %gt3A_352, %select_n3A_344, %select_n3A_354 : vector<16xi1>, vector<16xf32>
      %select_n3A_356 = arith.select %gt3A_353, %broadcast_in_dim3A_347, %select_n3A_343 : vector<16xi1>, vector<16xi32>
      %select_n3A_357 = arith.select %gt3A_352, %select_n3A_345, %select_n3A_356 : vector<16xi1>, vector<16xi32>
      %select_n3A_358 = arith.select %gt3A_352, %gather3A_351, %select_n3A_344 : vector<16xi1>, vector<16xf32>
      %select_n3A_359 = arith.select %gt3A_352, %broadcast_in_dim3A_347, %select_n3A_345 : vector<16xi1>, vector<16xi32>
      %broadcast_in_dim3A_360 = arith.constant 24 : i32
      %broadcast_in_dim3A_361 = vector.broadcast %broadcast_in_dim3A_360 : i32 to vector<16xi32>
      %add3A_362 = arith.constant 24 : i32
      %add3A_363 = vector.broadcast %add3A_362 : i32 to vector<16xi32>
      %add3A_364 = arith.addi %mul3A_19, %add3A_363 : vector<16xi32>
      %gather3A_365 = tpu.vector_load_idx %arg4[%add3A_364] : memref<65536xf32, #tpu.memory_space<vmem>>[vector<16xi32>], vector<16xf32>,
      %gt3A_366 = arith.cmpf ogt, %gather3A_365, %select_n3A_358 : vector<16xf32>
      %gt3A_367 = arith.cmpf ogt, %gather3A_365, %select_n3A_355 : vector<16xf32>
      %select_n3A_368 = arith.select %gt3A_367, %gather3A_365, %select_n3A_355 : vector<16xi1>, vector<16xf32>
      %select_n3A_369 = arith.select %gt3A_366, %select_n3A_358, %select_n3A_368 : vector<16xi1>, vector<16xf32>
      %select_n3A_370 = arith.select %gt3A_367, %broadcast_in_dim3A_361, %select_n3A_357 : vector<16xi1>, vector<16xi32>
      %select_n3A_371 = arith.select %gt3A_366, %select_n3A_359, %select_n3A_370 : vector<16xi1>, vector<16xi32>
      %select_n3A_372 = arith.select %gt3A_366, %gather3A_365, %select_n3A_358 : vector<16xi1>, vector<16xf32>
      %select_n3A_373 = arith.select %gt3A_366, %broadcast_in_dim3A_361, %select_n3A_359 : vector<16xi1>, vector<16xi32>
      %broadcast_in_dim3A_374 = arith.constant 25 : i32
      %broadcast_in_dim3A_375 = vector.broadcast %broadcast_in_dim3A_374 : i32 to vector<16xi32>
      %add3A_376 = arith.constant 25 : i32
      %add3A_377 = vector.broadcast %add3A_376 : i32 to vector<16xi32>
      %add3A_378 = arith.addi %mul3A_19, %add3A_377 : vector<16xi32>
      %gather3A_379 = tpu.vector_load_idx %arg4[%add3A_378] : memref<65536xf32, #tpu.memory_space<vmem>>[vector<16xi32>], vector<16xf32>,
      %gt3A_380 = arith.cmpf ogt, %gather3A_379, %select_n3A_372 : vector<16xf32>
      %gt3A_381 = arith.cmpf ogt, %gather3A_379, %select_n3A_369 : vector<16xf32>
      %select_n3A_382 = arith.select %gt3A_381, %gather3A_379, %select_n3A_369 : vector<16xi1>, vector<16xf32>
      %select_n3A_383 = arith.select %gt3A_380, %select_n3A_372, %select_n3A_382 : vector<16xi1>, vector<16xf32>
      %select_n3A_384 = arith.select %gt3A_381, %broadcast_in_dim3A_375, %select_n3A_371 : vector<16xi1>, vector<16xi32>
      %select_n3A_385 = arith.select %gt3A_380, %select_n3A_373, %select_n3A_384 : vector<16xi1>, vector<16xi32>
      %select_n3A_386 = arith.select %gt3A_380, %gather3A_379, %select_n3A_372 : vector<16xi1>, vector<16xf32>
      %select_n3A_387 = arith.select %gt3A_380, %broadcast_in_dim3A_375, %select_n3A_373 : vector<16xi1>, vector<16xi32>
      %broadcast_in_dim3A_388 = arith.constant 26 : i32
      %broadcast_in_dim3A_389 = vector.broadcast %broadcast_in_dim3A_388 : i32 to vector<16xi32>
      %add3A_390 = arith.constant 26 : i32
      %add3A_391 = vector.broadcast %add3A_390 : i32 to vector<16xi32>
      %add3A_392 = arith.addi %mul3A_19, %add3A_391 : vector<16xi32>
      %gather3A_393 = tpu.vector_load_idx %arg4[%add3A_392] : memref<65536xf32, #tpu.memory_space<vmem>>[vector<16xi32>], vector<16xf32>,
      %gt3A_394 = arith.cmpf ogt, %gather3A_393, %select_n3A_386 : vector<16xf32>
      %gt3A_395 = arith.cmpf ogt, %gather3A_393, %select_n3A_383 : vector<16xf32>
      %select_n3A_396 = arith.select %gt3A_395, %gather3A_393, %select_n3A_383 : vector<16xi1>, vector<16xf32>
      %select_n3A_397 = arith.select %gt3A_394, %select_n3A_386, %select_n3A_396 : vector<16xi1>, vector<16xf32>
      %select_n3A_398 = arith.select %gt3A_395, %broadcast_in_dim3A_389, %select_n3A_385 : vector<16xi1>, vector<16xi32>
      %select_n3A_399 = arith.select %gt3A_394, %select_n3A_387, %select_n3A_398 : vector<16xi1>, vector<16xi32>
      %select_n3A_400 = arith.select %gt3A_394, %gather3A_393, %select_n3A_386 : vector<16xi1>, vector<16xf32>
      %select_n3A_401 = arith.select %gt3A_394, %broadcast_in_dim3A_389, %select_n3A_387 : vector<16xi1>, vector<16xi32>
      %broadcast_in_dim3A_402 = arith.constant 27 : i32
      %broadcast_in_dim3A_403 = vector.broadcast %broadcast_in_dim3A_402 : i32 to vector<16xi32>
      %add3A_404 = arith.constant 27 : i32
      %add3A_405 = vector.broadcast %add3A_404 : i32 to vector<16xi32>
      %add3A_406 = arith.addi %mul3A_19, %add3A_405 : vector<16xi32>
      %gather3A_407 = tpu.vector_load_idx %arg4[%add3A_406] : memref<65536xf32, #tpu.memory_space<vmem>>[vector<16xi32>], vector<16xf32>,
      %gt3A_408 = arith.cmpf ogt, %gather3A_407, %select_n3A_400 : vector<16xf32>
      %gt3A_409 = arith.cmpf ogt, %gather3A_407, %select_n3A_397 : vector<16xf32>
      %select_n3A_410 = arith.select %gt3A_409, %gather3A_407, %select_n3A_397 : vector<16xi1>, vector<16xf32>
      %select_n3A_411 = arith.select %gt3A_408, %select_n3A_400, %select_n3A_410 : vector<16xi1>, vector<16xf32>
      %select_n3A_412 = arith.select %gt3A_409, %broadcast_in_dim3A_403, %select_n3A_399 : vector<16xi1>, vector<16xi32>
      %select_n3A_413 = arith.select %gt3A_408, %select_n3A_401, %select_n3A_412 : vector<16xi1>, vector<16xi32>
      %select_n3A_414 = arith.select %gt3A_408, %gather3A_407, %select_n3A_400 : vector<16xi1>, vector<16xf32>
      %select_n3A_415 = arith.select %gt3A_408, %broadcast_in_dim3A_403, %select_n3A_401 : vector<16xi1>, vector<16xi32>
      %broadcast_in_dim3A_416 = arith.constant 28 : i32
      %broadcast_in_dim3A_417 = vector.broadcast %broadcast_in_dim3A_416 : i32 to vector<16xi32>
      %add3A_418 = arith.constant 28 : i32
      %add3A_419 = vector.broadcast %add3A_418 : i32 to vector<16xi32>
      %add3A_420 = arith.addi %mul3A_19, %add3A_419 : vector<16xi32>
      %gather3A_421 = tpu.vector_load_idx %arg4[%add3A_420] : memref<65536xf32, #tpu.memory_space<vmem>>[vector<16xi32>], vector<16xf32>,
      %gt3A_422 = arith.cmpf ogt, %gather3A_421, %select_n3A_414 : vector<16xf32>
      %gt3A_423 = arith.cmpf ogt, %gather3A_421, %select_n3A_411 : vector<16xf32>
      %select_n3A_424 = arith.select %gt3A_423, %gather3A_421, %select_n3A_411 : vector<16xi1>, vector<16xf32>
      %select_n3A_425 = arith.select %gt3A_422, %select_n3A_414, %select_n3A_424 : vector<16xi1>, vector<16xf32>
      %select_n3A_426 = arith.select %gt3A_423, %broadcast_in_dim3A_417, %select_n3A_413 : vector<16xi1>, vector<16xi32>
      %select_n3A_427 = arith.select %gt3A_422, %select_n3A_415, %select_n3A_426 : vector<16xi1>, vector<16xi32>
      %select_n3A_428 = arith.select %gt3A_422, %gather3A_421, %select_n3A_414 : vector<16xi1>, vector<16xf32>
      %select_n3A_429 = arith.select %gt3A_422, %broadcast_in_dim3A_417, %select_n3A_415 : vector<16xi1>, vector<16xi32>
      %broadcast_in_dim3A_430 = arith.constant 29 : i32
      %broadcast_in_dim3A_431 = vector.broadcast %broadcast_in_dim3A_430 : i32 to vector<16xi32>
      %add3A_432 = arith.constant 29 : i32
      %add3A_433 = vector.broadcast %add3A_432 : i32 to vector<16xi32>
      %add3A_434 = arith.addi %mul3A_19, %add3A_433 : vector<16xi32>
      %gather3A_435 = tpu.vector_load_idx %arg4[%add3A_434] : memref<65536xf32, #tpu.memory_space<vmem>>[vector<16xi32>], vector<16xf32>,
      %gt3A_436 = arith.cmpf ogt, %gather3A_435, %select_n3A_428 : vector<16xf32>
      %gt3A_437 = arith.cmpf ogt, %gather3A_435, %select_n3A_425 : vector<16xf32>
      %select_n3A_438 = arith.select %gt3A_437, %gather3A_435, %select_n3A_425 : vector<16xi1>, vector<16xf32>
      %select_n3A_439 = arith.select %gt3A_436, %select_n3A_428, %select_n3A_438 : vector<16xi1>, vector<16xf32>
      %select_n3A_440 = arith.select %gt3A_437, %broadcast_in_dim3A_431, %select_n3A_427 : vector<16xi1>, vector<16xi32>
      %select_n3A_441 = arith.select %gt3A_436, %select_n3A_429, %select_n3A_440 : vector<16xi1>, vector<16xi32>
      %select_n3A_442 = arith.select %gt3A_436, %gather3A_435, %select_n3A_428 : vector<16xi1>, vector<16xf32>
      %select_n3A_443 = arith.select %gt3A_436, %broadcast_in_dim3A_431, %select_n3A_429 : vector<16xi1>, vector<16xi32>
      %broadcast_in_dim3A_444 = arith.constant 30 : i32
      %broadcast_in_dim3A_445 = vector.broadcast %broadcast_in_dim3A_444 : i32 to vector<16xi32>
      %add3A_446 = arith.constant 30 : i32
      %add3A_447 = vector.broadcast %add3A_446 : i32 to vector<16xi32>
      %add3A_448 = arith.addi %mul3A_19, %add3A_447 : vector<16xi32>
      %gather3A_449 = tpu.vector_load_idx %arg4[%add3A_448] : memref<65536xf32, #tpu.memory_space<vmem>>[vector<16xi32>], vector<16xf32>,
      %gt3A_450 = arith.cmpf ogt, %gather3A_449, %select_n3A_442 : vector<16xf32>
      %gt3A_451 = arith.cmpf ogt, %gather3A_449, %select_n3A_439 : vector<16xf32>
      %select_n3A_452 = arith.select %gt3A_451, %gather3A_449, %select_n3A_439 : vector<16xi1>, vector<16xf32>
      %select_n3A_453 = arith.select %gt3A_450, %select_n3A_442, %select_n3A_452 : vector<16xi1>, vector<16xf32>
      %select_n3A_454 = arith.select %gt3A_451, %broadcast_in_dim3A_445, %select_n3A_441 : vector<16xi1>, vector<16xi32>
      %select_n3A_455 = arith.select %gt3A_450, %select_n3A_443, %select_n3A_454 : vector<16xi1>, vector<16xi32>
      %select_n3A_456 = arith.select %gt3A_450, %gather3A_449, %select_n3A_442 : vector<16xi1>, vector<16xf32>
      %select_n3A_457 = arith.select %gt3A_450, %broadcast_in_dim3A_445, %select_n3A_443 : vector<16xi1>, vector<16xi32>
      %broadcast_in_dim3A_458 = arith.constant 31 : i32
      %broadcast_in_dim3A_459 = vector.broadcast %broadcast_in_dim3A_458 : i32 to vector<16xi32>
      %add3A_460 = arith.constant 31 : i32
      %add3A_461 = vector.broadcast %add3A_460 : i32 to vector<16xi32>
      %add3A_462 = arith.addi %mul3A_19, %add3A_461 : vector<16xi32>
      %gather3A_463 = tpu.vector_load_idx %arg4[%add3A_462] : memref<65536xf32, #tpu.memory_space<vmem>>[vector<16xi32>], vector<16xf32>,
      %gt3A_464 = arith.cmpf ogt, %gather3A_463, %select_n3A_456 : vector<16xf32>
      %gt3A_465 = arith.cmpf ogt, %gather3A_463, %select_n3A_453 : vector<16xf32>
      %select_n3A_466 = arith.select %gt3A_465, %gather3A_463, %select_n3A_453 : vector<16xi1>, vector<16xf32>
      %select_n3A_467 = arith.select %gt3A_464, %select_n3A_456, %select_n3A_466 : vector<16xi1>, vector<16xf32>
      %select_n3A_468 = arith.select %gt3A_465, %broadcast_in_dim3A_459, %select_n3A_455 : vector<16xi1>, vector<16xi32>
      %select_n3A_469 = arith.select %gt3A_464, %select_n3A_457, %select_n3A_468 : vector<16xi1>, vector<16xi32>
      %select_n3A_470 = arith.select %gt3A_464, %gather3A_463, %select_n3A_456 : vector<16xi1>, vector<16xf32>
      %select_n3A_471 = arith.select %gt3A_464, %broadcast_in_dim3A_459, %select_n3A_457 : vector<16xi1>, vector<16xi32>
      %broadcast_in_dim3A_472 = arith.constant 32 : i32
      %broadcast_in_dim3A_473 = vector.broadcast %broadcast_in_dim3A_472 : i32 to vector<16xi32>
      %add3A_474 = arith.constant 32 : i32
      %add3A_475 = vector.broadcast %add3A_474 : i32 to vector<16xi32>
      %add3A_476 = arith.addi %mul3A_19, %add3A_475 : vector<16xi32>
      %gather3A_477 = tpu.vector_load_idx %arg4[%add3A_476] : memref<65536xf32, #tpu.memory_space<vmem>>[vector<16xi32>], vector<16xf32>,
      %gt3A_478 = arith.cmpf ogt, %gather3A_477, %select_n3A_470 : vector<16xf32>
      %gt3A_479 = arith.cmpf ogt, %gather3A_477, %select_n3A_467 : vector<16xf32>
      %select_n3A_480 = arith.select %gt3A_479, %gather3A_477, %select_n3A_467 : vector<16xi1>, vector<16xf32>
      %select_n3A_481 = arith.select %gt3A_478, %select_n3A_470, %select_n3A_480 : vector<16xi1>, vector<16xf32>
      %select_n3A_482 = arith.select %gt3A_479, %broadcast_in_dim3A_473, %select_n3A_469 : vector<16xi1>, vector<16xi32>
      %select_n3A_483 = arith.select %gt3A_478, %select_n3A_471, %select_n3A_482 : vector<16xi1>, vector<16xi32>
      %select_n3A_484 = arith.select %gt3A_478, %gather3A_477, %select_n3A_470 : vector<16xi1>, vector<16xf32>
      %select_n3A_485 = arith.select %gt3A_478, %broadcast_in_dim3A_473, %select_n3A_471 : vector<16xi1>, vector<16xi32>
      %broadcast_in_dim3A_486 = arith.constant 33 : i32
      %broadcast_in_dim3A_487 = vector.broadcast %broadcast_in_dim3A_486 : i32 to vector<16xi32>
      %add3A_488 = arith.constant 33 : i32
      %add3A_489 = vector.broadcast %add3A_488 : i32 to vector<16xi32>
      %add3A_490 = arith.addi %mul3A_19, %add3A_489 : vector<16xi32>
      %gather3A_491 = tpu.vector_load_idx %arg4[%add3A_490] : memref<65536xf32, #tpu.memory_space<vmem>>[vector<16xi32>], vector<16xf32>,
      %gt3A_492 = arith.cmpf ogt, %gather3A_491, %select_n3A_484 : vector<16xf32>
      %gt3A_493 = arith.cmpf ogt, %gather3A_491, %select_n3A_481 : vector<16xf32>
      %select_n3A_494 = arith.select %gt3A_493, %gather3A_491, %select_n3A_481 : vector<16xi1>, vector<16xf32>
      %select_n3A_495 = arith.select %gt3A_492, %select_n3A_484, %select_n3A_494 : vector<16xi1>, vector<16xf32>
      %select_n3A_496 = arith.select %gt3A_493, %broadcast_in_dim3A_487, %select_n3A_483 : vector<16xi1>, vector<16xi32>
      %select_n3A_497 = arith.select %gt3A_492, %select_n3A_485, %select_n3A_496 : vector<16xi1>, vector<16xi32>
      %select_n3A_498 = arith.select %gt3A_492, %gather3A_491, %select_n3A_484 : vector<16xi1>, vector<16xf32>
      %select_n3A_499 = arith.select %gt3A_492, %broadcast_in_dim3A_487, %select_n3A_485 : vector<16xi1>, vector<16xi32>
      %broadcast_in_dim3A_500 = arith.constant 34 : i32
      %broadcast_in_dim3A_501 = vector.broadcast %broadcast_in_dim3A_500 : i32 to vector<16xi32>
      %add3A_502 = arith.constant 34 : i32
      %add3A_503 = vector.broadcast %add3A_502 : i32 to vector<16xi32>
      %add3A_504 = arith.addi %mul3A_19, %add3A_503 : vector<16xi32>
      %gather3A_505 = tpu.vector_load_idx %arg4[%add3A_504] : memref<65536xf32, #tpu.memory_space<vmem>>[vector<16xi32>], vector<16xf32>,
      %gt3A_506 = arith.cmpf ogt, %gather3A_505, %select_n3A_498 : vector<16xf32>
      %gt3A_507 = arith.cmpf ogt, %gather3A_505, %select_n3A_495 : vector<16xf32>
      %select_n3A_508 = arith.select %gt3A_507, %gather3A_505, %select_n3A_495 : vector<16xi1>, vector<16xf32>
      %select_n3A_509 = arith.select %gt3A_506, %select_n3A_498, %select_n3A_508 : vector<16xi1>, vector<16xf32>
      %select_n3A_510 = arith.select %gt3A_507, %broadcast_in_dim3A_501, %select_n3A_497 : vector<16xi1>, vector<16xi32>
      %select_n3A_511 = arith.select %gt3A_506, %select_n3A_499, %select_n3A_510 : vector<16xi1>, vector<16xi32>
      %select_n3A_512 = arith.select %gt3A_506, %gather3A_505, %select_n3A_498 : vector<16xi1>, vector<16xf32>
      %select_n3A_513 = arith.select %gt3A_506, %broadcast_in_dim3A_501, %select_n3A_499 : vector<16xi1>, vector<16xi32>
      %broadcast_in_dim3A_514 = arith.constant 35 : i32
      %broadcast_in_dim3A_515 = vector.broadcast %broadcast_in_dim3A_514 : i32 to vector<16xi32>
      %add3A_516 = arith.constant 35 : i32
      %add3A_517 = vector.broadcast %add3A_516 : i32 to vector<16xi32>
      %add3A_518 = arith.addi %mul3A_19, %add3A_517 : vector<16xi32>
      %gather3A_519 = tpu.vector_load_idx %arg4[%add3A_518] : memref<65536xf32, #tpu.memory_space<vmem>>[vector<16xi32>], vector<16xf32>,
      %gt3A_520 = arith.cmpf ogt, %gather3A_519, %select_n3A_512 : vector<16xf32>
      %gt3A_521 = arith.cmpf ogt, %gather3A_519, %select_n3A_509 : vector<16xf32>
      %select_n3A_522 = arith.select %gt3A_521, %gather3A_519, %select_n3A_509 : vector<16xi1>, vector<16xf32>
      %select_n3A_523 = arith.select %gt3A_520, %select_n3A_512, %select_n3A_522 : vector<16xi1>, vector<16xf32>
      %select_n3A_524 = arith.select %gt3A_521, %broadcast_in_dim3A_515, %select_n3A_511 : vector<16xi1>, vector<16xi32>
      %select_n3A_525 = arith.select %gt3A_520, %select_n3A_513, %select_n3A_524 : vector<16xi1>, vector<16xi32>
      %select_n3A_526 = arith.select %gt3A_520, %gather3A_519, %select_n3A_512 : vector<16xi1>, vector<16xf32>
      %select_n3A_527 = arith.select %gt3A_520, %broadcast_in_dim3A_515, %select_n3A_513 : vector<16xi1>, vector<16xi32>
      %broadcast_in_dim3A_528 = arith.constant 36 : i32
      %broadcast_in_dim3A_529 = vector.broadcast %broadcast_in_dim3A_528 : i32 to vector<16xi32>
      %add3A_530 = arith.constant 36 : i32
      %add3A_531 = vector.broadcast %add3A_530 : i32 to vector<16xi32>
      %add3A_532 = arith.addi %mul3A_19, %add3A_531 : vector<16xi32>
      %gather3A_533 = tpu.vector_load_idx %arg4[%add3A_532] : memref<65536xf32, #tpu.memory_space<vmem>>[vector<16xi32>], vector<16xf32>,
      %gt3A_534 = arith.cmpf ogt, %gather3A_533, %select_n3A_526 : vector<16xf32>
      %gt3A_535 = arith.cmpf ogt, %gather3A_533, %select_n3A_523 : vector<16xf32>
      %select_n3A_536 = arith.select %gt3A_535, %gather3A_533, %select_n3A_523 : vector<16xi1>, vector<16xf32>
      %select_n3A_537 = arith.select %gt3A_534, %select_n3A_526, %select_n3A_536 : vector<16xi1>, vector<16xf32>
      %select_n3A_538 = arith.select %gt3A_535, %broadcast_in_dim3A_529, %select_n3A_525 : vector<16xi1>, vector<16xi32>
      %select_n3A_539 = arith.select %gt3A_534, %select_n3A_527, %select_n3A_538 : vector<16xi1>, vector<16xi32>
      %select_n3A_540 = arith.select %gt3A_534, %gather3A_533, %select_n3A_526 : vector<16xi1>, vector<16xf32>
      %select_n3A_541 = arith.select %gt3A_534, %broadcast_in_dim3A_529, %select_n3A_527 : vector<16xi1>, vector<16xi32>
      %broadcast_in_dim3A_542 = arith.constant 37 : i32
      %broadcast_in_dim3A_543 = vector.broadcast %broadcast_in_dim3A_542 : i32 to vector<16xi32>
      %add3A_544 = arith.constant 37 : i32
      %add3A_545 = vector.broadcast %add3A_544 : i32 to vector<16xi32>
      %add3A_546 = arith.addi %mul3A_19, %add3A_545 : vector<16xi32>
      %gather3A_547 = tpu.vector_load_idx %arg4[%add3A_546] : memref<65536xf32, #tpu.memory_space<vmem>>[vector<16xi32>], vector<16xf32>,
      %gt3A_548 = arith.cmpf ogt, %gather3A_547, %select_n3A_540 : vector<16xf32>
      %gt3A_549 = arith.cmpf ogt, %gather3A_547, %select_n3A_537 : vector<16xf32>
      %select_n3A_550 = arith.select %gt3A_549, %gather3A_547, %select_n3A_537 : vector<16xi1>, vector<16xf32>
      %select_n3A_551 = arith.select %gt3A_548, %select_n3A_540, %select_n3A_550 : vector<16xi1>, vector<16xf32>
      %select_n3A_552 = arith.select %gt3A_549, %broadcast_in_dim3A_543, %select_n3A_539 : vector<16xi1>, vector<16xi32>
      %select_n3A_553 = arith.select %gt3A_548, %select_n3A_541, %select_n3A_552 : vector<16xi1>, vector<16xi32>
      %select_n3A_554 = arith.select %gt3A_548, %gather3A_547, %select_n3A_540 : vector<16xi1>, vector<16xf32>
      %select_n3A_555 = arith.select %gt3A_548, %broadcast_in_dim3A_543, %select_n3A_541 : vector<16xi1>, vector<16xi32>
      %broadcast_in_dim3A_556 = arith.constant 38 : i32
      %broadcast_in_dim3A_557 = vector.broadcast %broadcast_in_dim3A_556 : i32 to vector<16xi32>
      %add3A_558 = arith.constant 38 : i32
      %add3A_559 = vector.broadcast %add3A_558 : i32 to vector<16xi32>
      %add3A_560 = arith.addi %mul3A_19, %add3A_559 : vector<16xi32>
      %gather3A_561 = tpu.vector_load_idx %arg4[%add3A_560] : memref<65536xf32, #tpu.memory_space<vmem>>[vector<16xi32>], vector<16xf32>,
      %gt3A_562 = arith.cmpf ogt, %gather3A_561, %select_n3A_554 : vector<16xf32>
      %gt3A_563 = arith.cmpf ogt, %gather3A_561, %select_n3A_551 : vector<16xf32>
      %select_n3A_564 = arith.select %gt3A_563, %gather3A_561, %select_n3A_551 : vector<16xi1>, vector<16xf32>
      %select_n3A_565 = arith.select %gt3A_562, %select_n3A_554, %select_n3A_564 : vector<16xi1>, vector<16xf32>
      %select_n3A_566 = arith.select %gt3A_563, %broadcast_in_dim3A_557, %select_n3A_553 : vector<16xi1>, vector<16xi32>
      %select_n3A_567 = arith.select %gt3A_562, %select_n3A_555, %select_n3A_566 : vector<16xi1>, vector<16xi32>
      %select_n3A_568 = arith.select %gt3A_562, %gather3A_561, %select_n3A_554 : vector<16xi1>, vector<16xf32>
      %select_n3A_569 = arith.select %gt3A_562, %broadcast_in_dim3A_557, %select_n3A_555 : vector<16xi1>, vector<16xi32>
      %broadcast_in_dim3A_570 = arith.constant 39 : i32
      %broadcast_in_dim3A_571 = vector.broadcast %broadcast_in_dim3A_570 : i32 to vector<16xi32>
      %add3A_572 = arith.constant 39 : i32
      %add3A_573 = vector.broadcast %add3A_572 : i32 to vector<16xi32>
      %add3A_574 = arith.addi %mul3A_19, %add3A_573 : vector<16xi32>
      %gather3A_575 = tpu.vector_load_idx %arg4[%add3A_574] : memref<65536xf32, #tpu.memory_space<vmem>>[vector<16xi32>], vector<16xf32>,
      %gt3A_576 = arith.cmpf ogt, %gather3A_575, %select_n3A_568 : vector<16xf32>
      %gt3A_577 = arith.cmpf ogt, %gather3A_575, %select_n3A_565 : vector<16xf32>
      %select_n3A_578 = arith.select %gt3A_577, %gather3A_575, %select_n3A_565 : vector<16xi1>, vector<16xf32>
      %select_n3A_579 = arith.select %gt3A_576, %select_n3A_568, %select_n3A_578 : vector<16xi1>, vector<16xf32>
      %select_n3A_580 = arith.select %gt3A_577, %broadcast_in_dim3A_571, %select_n3A_567 : vector<16xi1>, vector<16xi32>
      %select_n3A_581 = arith.select %gt3A_576, %select_n3A_569, %select_n3A_580 : vector<16xi1>, vector<16xi32>
      %select_n3A_582 = arith.select %gt3A_576, %gather3A_575, %select_n3A_568 : vector<16xi1>, vector<16xf32>
      %select_n3A_583 = arith.select %gt3A_576, %broadcast_in_dim3A_571, %select_n3A_569 : vector<16xi1>, vector<16xi32>
      %broadcast_in_dim3A_584 = arith.constant 40 : i32
      %broadcast_in_dim3A_585 = vector.broadcast %broadcast_in_dim3A_584 : i32 to vector<16xi32>
      %add3A_586 = arith.constant 40 : i32
      %add3A_587 = vector.broadcast %add3A_586 : i32 to vector<16xi32>
      %add3A_588 = arith.addi %mul3A_19, %add3A_587 : vector<16xi32>
      %gather3A_589 = tpu.vector_load_idx %arg4[%add3A_588] : memref<65536xf32, #tpu.memory_space<vmem>>[vector<16xi32>], vector<16xf32>,
      %gt3A_590 = arith.cmpf ogt, %gather3A_589, %select_n3A_582 : vector<16xf32>
      %gt3A_591 = arith.cmpf ogt, %gather3A_589, %select_n3A_579 : vector<16xf32>
      %select_n3A_592 = arith.select %gt3A_591, %gather3A_589, %select_n3A_579 : vector<16xi1>, vector<16xf32>
      %select_n3A_593 = arith.select %gt3A_590, %select_n3A_582, %select_n3A_592 : vector<16xi1>, vector<16xf32>
      %select_n3A_594 = arith.select %gt3A_591, %broadcast_in_dim3A_585, %select_n3A_581 : vector<16xi1>, vector<16xi32>
      %select_n3A_595 = arith.select %gt3A_590, %select_n3A_583, %select_n3A_594 : vector<16xi1>, vector<16xi32>
      %select_n3A_596 = arith.select %gt3A_590, %gather3A_589, %select_n3A_582 : vector<16xi1>, vector<16xf32>
      %select_n3A_597 = arith.select %gt3A_590, %broadcast_in_dim3A_585, %select_n3A_583 : vector<16xi1>, vector<16xi32>
      %broadcast_in_dim3A_598 = arith.constant 41 : i32
      %broadcast_in_dim3A_599 = vector.broadcast %broadcast_in_dim3A_598 : i32 to vector<16xi32>
      %add3A_600 = arith.constant 41 : i32
      %add3A_601 = vector.broadcast %add3A_600 : i32 to vector<16xi32>
      %add3A_602 = arith.addi %mul3A_19, %add3A_601 : vector<16xi32>
      %gather3A_603 = tpu.vector_load_idx %arg4[%add3A_602] : memref<65536xf32, #tpu.memory_space<vmem>>[vector<16xi32>], vector<16xf32>,
      %gt3A_604 = arith.cmpf ogt, %gather3A_603, %select_n3A_596 : vector<16xf32>
      %gt3A_605 = arith.cmpf ogt, %gather3A_603, %select_n3A_593 : vector<16xf32>
      %select_n3A_606 = arith.select %gt3A_605, %gather3A_603, %select_n3A_593 : vector<16xi1>, vector<16xf32>
      %select_n3A_607 = arith.select %gt3A_604, %select_n3A_596, %select_n3A_606 : vector<16xi1>, vector<16xf32>
      %select_n3A_608 = arith.select %gt3A_605, %broadcast_in_dim3A_599, %select_n3A_595 : vector<16xi1>, vector<16xi32>
      %select_n3A_609 = arith.select %gt3A_604, %select_n3A_597, %select_n3A_608 : vector<16xi1>, vector<16xi32>
      %select_n3A_610 = arith.select %gt3A_604, %gather3A_603, %select_n3A_596 : vector<16xi1>, vector<16xf32>
      %select_n3A_611 = arith.select %gt3A_604, %broadcast_in_dim3A_599, %select_n3A_597 : vector<16xi1>, vector<16xi32>
      %broadcast_in_dim3A_612 = arith.constant 42 : i32
      %broadcast_in_dim3A_613 = vector.broadcast %broadcast_in_dim3A_612 : i32 to vector<16xi32>
      %add3A_614 = arith.constant 42 : i32
      %add3A_615 = vector.broadcast %add3A_614 : i32 to vector<16xi32>
      %add3A_616 = arith.addi %mul3A_19, %add3A_615 : vector<16xi32>
      %gather3A_617 = tpu.vector_load_idx %arg4[%add3A_616] : memref<65536xf32, #tpu.memory_space<vmem>>[vector<16xi32>], vector<16xf32>,
      %gt3A_618 = arith.cmpf ogt, %gather3A_617, %select_n3A_610 : vector<16xf32>
      %gt3A_619 = arith.cmpf ogt, %gather3A_617, %select_n3A_607 : vector<16xf32>
      %select_n3A_620 = arith.select %gt3A_619, %gather3A_617, %select_n3A_607 : vector<16xi1>, vector<16xf32>
      %select_n3A_621 = arith.select %gt3A_618, %select_n3A_610, %select_n3A_620 : vector<16xi1>, vector<16xf32>
      %select_n3A_622 = arith.select %gt3A_619, %broadcast_in_dim3A_613, %select_n3A_609 : vector<16xi1>, vector<16xi32>
      %select_n3A_623 = arith.select %gt3A_618, %select_n3A_611, %select_n3A_622 : vector<16xi1>, vector<16xi32>
      %select_n3A_624 = arith.select %gt3A_618, %gather3A_617, %select_n3A_610 : vector<16xi1>, vector<16xf32>
      %select_n3A_625 = arith.select %gt3A_618, %broadcast_in_dim3A_613, %select_n3A_611 : vector<16xi1>, vector<16xi32>
      %broadcast_in_dim3A_626 = arith.constant 43 : i32
      %broadcast_in_dim3A_627 = vector.broadcast %broadcast_in_dim3A_626 : i32 to vector<16xi32>
      %add3A_628 = arith.constant 43 : i32
      %add3A_629 = vector.broadcast %add3A_628 : i32 to vector<16xi32>
      %add3A_630 = arith.addi %mul3A_19, %add3A_629 : vector<16xi32>
      %gather3A_631 = tpu.vector_load_idx %arg4[%add3A_630] : memref<65536xf32, #tpu.memory_space<vmem>>[vector<16xi32>], vector<16xf32>,
      %gt3A_632 = arith.cmpf ogt, %gather3A_631, %select_n3A_624 : vector<16xf32>
      %gt3A_633 = arith.cmpf ogt, %gather3A_631, %select_n3A_621 : vector<16xf32>
      %select_n3A_634 = arith.select %gt3A_633, %gather3A_631, %select_n3A_621 : vector<16xi1>, vector<16xf32>
      %select_n3A_635 = arith.select %gt3A_632, %select_n3A_624, %select_n3A_634 : vector<16xi1>, vector<16xf32>
      %select_n3A_636 = arith.select %gt3A_633, %broadcast_in_dim3A_627, %select_n3A_623 : vector<16xi1>, vector<16xi32>
      %select_n3A_637 = arith.select %gt3A_632, %select_n3A_625, %select_n3A_636 : vector<16xi1>, vector<16xi32>
      %select_n3A_638 = arith.select %gt3A_632, %gather3A_631, %select_n3A_624 : vector<16xi1>, vector<16xf32>
      %select_n3A_639 = arith.select %gt3A_632, %broadcast_in_dim3A_627, %select_n3A_625 : vector<16xi1>, vector<16xi32>
      %broadcast_in_dim3A_640 = arith.constant 44 : i32
      %broadcast_in_dim3A_641 = vector.broadcast %broadcast_in_dim3A_640 : i32 to vector<16xi32>
      %add3A_642 = arith.constant 44 : i32
      %add3A_643 = vector.broadcast %add3A_642 : i32 to vector<16xi32>
      %add3A_644 = arith.addi %mul3A_19, %add3A_643 : vector<16xi32>
      %gather3A_645 = tpu.vector_load_idx %arg4[%add3A_644] : memref<65536xf32, #tpu.memory_space<vmem>>[vector<16xi32>], vector<16xf32>,
      %gt3A_646 = arith.cmpf ogt, %gather3A_645, %select_n3A_638 : vector<16xf32>
      %gt3A_647 = arith.cmpf ogt, %gather3A_645, %select_n3A_635 : vector<16xf32>
      %select_n3A_648 = arith.select %gt3A_647, %gather3A_645, %select_n3A_635 : vector<16xi1>, vector<16xf32>
      %select_n3A_649 = arith.select %gt3A_646, %select_n3A_638, %select_n3A_648 : vector<16xi1>, vector<16xf32>
      %select_n3A_650 = arith.select %gt3A_647, %broadcast_in_dim3A_641, %select_n3A_637 : vector<16xi1>, vector<16xi32>
      %select_n3A_651 = arith.select %gt3A_646, %select_n3A_639, %select_n3A_650 : vector<16xi1>, vector<16xi32>
      %select_n3A_652 = arith.select %gt3A_646, %gather3A_645, %select_n3A_638 : vector<16xi1>, vector<16xf32>
      %select_n3A_653 = arith.select %gt3A_646, %broadcast_in_dim3A_641, %select_n3A_639 : vector<16xi1>, vector<16xi32>
      %broadcast_in_dim3A_654 = arith.constant 45 : i32
      %broadcast_in_dim3A_655 = vector.broadcast %broadcast_in_dim3A_654 : i32 to vector<16xi32>
      %add3A_656 = arith.constant 45 : i32
      %add3A_657 = vector.broadcast %add3A_656 : i32 to vector<16xi32>
      %add3A_658 = arith.addi %mul3A_19, %add3A_657 : vector<16xi32>
      %gather3A_659 = tpu.vector_load_idx %arg4[%add3A_658] : memref<65536xf32, #tpu.memory_space<vmem>>[vector<16xi32>], vector<16xf32>,
      %gt3A_660 = arith.cmpf ogt, %gather3A_659, %select_n3A_652 : vector<16xf32>
      %gt3A_661 = arith.cmpf ogt, %gather3A_659, %select_n3A_649 : vector<16xf32>
      %select_n3A_662 = arith.select %gt3A_661, %gather3A_659, %select_n3A_649 : vector<16xi1>, vector<16xf32>
      %select_n3A_663 = arith.select %gt3A_660, %select_n3A_652, %select_n3A_662 : vector<16xi1>, vector<16xf32>
      %select_n3A_664 = arith.select %gt3A_661, %broadcast_in_dim3A_655, %select_n3A_651 : vector<16xi1>, vector<16xi32>
      %select_n3A_665 = arith.select %gt3A_660, %select_n3A_653, %select_n3A_664 : vector<16xi1>, vector<16xi32>
      %select_n3A_666 = arith.select %gt3A_660, %gather3A_659, %select_n3A_652 : vector<16xi1>, vector<16xf32>
      %select_n3A_667 = arith.select %gt3A_660, %broadcast_in_dim3A_655, %select_n3A_653 : vector<16xi1>, vector<16xi32>
      %broadcast_in_dim3A_668 = arith.constant 46 : i32
      %broadcast_in_dim3A_669 = vector.broadcast %broadcast_in_dim3A_668 : i32 to vector<16xi32>
      %add3A_670 = arith.constant 46 : i32
      %add3A_671 = vector.broadcast %add3A_670 : i32 to vector<16xi32>
      %add3A_672 = arith.addi %mul3A_19, %add3A_671 : vector<16xi32>
      %gather3A_673 = tpu.vector_load_idx %arg4[%add3A_672] : memref<65536xf32, #tpu.memory_space<vmem>>[vector<16xi32>], vector<16xf32>,
      %gt3A_674 = arith.cmpf ogt, %gather3A_673, %select_n3A_666 : vector<16xf32>
      %gt3A_675 = arith.cmpf ogt, %gather3A_673, %select_n3A_663 : vector<16xf32>
      %select_n3A_676 = arith.select %gt3A_675, %gather3A_673, %select_n3A_663 : vector<16xi1>, vector<16xf32>
      %select_n3A_677 = arith.select %gt3A_674, %select_n3A_666, %select_n3A_676 : vector<16xi1>, vector<16xf32>
      %select_n3A_678 = arith.select %gt3A_675, %broadcast_in_dim3A_669, %select_n3A_665 : vector<16xi1>, vector<16xi32>
      %select_n3A_679 = arith.select %gt3A_674, %select_n3A_667, %select_n3A_678 : vector<16xi1>, vector<16xi32>
      %select_n3A_680 = arith.select %gt3A_674, %gather3A_673, %select_n3A_666 : vector<16xi1>, vector<16xf32>
      %select_n3A_681 = arith.select %gt3A_674, %broadcast_in_dim3A_669, %select_n3A_667 : vector<16xi1>, vector<16xi32>
      %broadcast_in_dim3A_682 = arith.constant 47 : i32
      %broadcast_in_dim3A_683 = vector.broadcast %broadcast_in_dim3A_682 : i32 to vector<16xi32>
      %add3A_684 = arith.constant 47 : i32
      %add3A_685 = vector.broadcast %add3A_684 : i32 to vector<16xi32>
      %add3A_686 = arith.addi %mul3A_19, %add3A_685 : vector<16xi32>
      %gather3A_687 = tpu.vector_load_idx %arg4[%add3A_686] : memref<65536xf32, #tpu.memory_space<vmem>>[vector<16xi32>], vector<16xf32>,
      %gt3A_688 = arith.cmpf ogt, %gather3A_687, %select_n3A_680 : vector<16xf32>
      %gt3A_689 = arith.cmpf ogt, %gather3A_687, %select_n3A_677 : vector<16xf32>
      %select_n3A_690 = arith.select %gt3A_689, %gather3A_687, %select_n3A_677 : vector<16xi1>, vector<16xf32>
      %select_n3A_691 = arith.select %gt3A_688, %select_n3A_680, %select_n3A_690 : vector<16xi1>, vector<16xf32>
      %select_n3A_692 = arith.select %gt3A_689, %broadcast_in_dim3A_683, %select_n3A_679 : vector<16xi1>, vector<16xi32>
      %select_n3A_693 = arith.select %gt3A_688, %select_n3A_681, %select_n3A_692 : vector<16xi1>, vector<16xi32>
      %select_n3A_694 = arith.select %gt3A_688, %gather3A_687, %select_n3A_680 : vector<16xi1>, vector<16xf32>
      %select_n3A_695 = arith.select %gt3A_688, %broadcast_in_dim3A_683, %select_n3A_681 : vector<16xi1>, vector<16xi32>
      %broadcast_in_dim3A_696 = arith.constant 48 : i32
      %broadcast_in_dim3A_697 = vector.broadcast %broadcast_in_dim3A_696 : i32 to vector<16xi32>
      %add3A_698 = arith.constant 48 : i32
      %add3A_699 = vector.broadcast %add3A_698 : i32 to vector<16xi32>
      %add3A_700 = arith.addi %mul3A_19, %add3A_699 : vector<16xi32>
      %gather3A_701 = tpu.vector_load_idx %arg4[%add3A_700] : memref<65536xf32, #tpu.memory_space<vmem>>[vector<16xi32>], vector<16xf32>,
      %gt3A_702 = arith.cmpf ogt, %gather3A_701, %select_n3A_694 : vector<16xf32>
      %gt3A_703 = arith.cmpf ogt, %gather3A_701, %select_n3A_691 : vector<16xf32>
      %select_n3A_704 = arith.select %gt3A_703, %gather3A_701, %select_n3A_691 : vector<16xi1>, vector<16xf32>
      %select_n3A_705 = arith.select %gt3A_702, %select_n3A_694, %select_n3A_704 : vector<16xi1>, vector<16xf32>
      %select_n3A_706 = arith.select %gt3A_703, %broadcast_in_dim3A_697, %select_n3A_693 : vector<16xi1>, vector<16xi32>
      %select_n3A_707 = arith.select %gt3A_702, %select_n3A_695, %select_n3A_706 : vector<16xi1>, vector<16xi32>
      %select_n3A_708 = arith.select %gt3A_702, %gather3A_701, %select_n3A_694 : vector<16xi1>, vector<16xf32>
      %select_n3A_709 = arith.select %gt3A_702, %broadcast_in_dim3A_697, %select_n3A_695 : vector<16xi1>, vector<16xi32>
      %broadcast_in_dim3A_710 = arith.constant 49 : i32
      %broadcast_in_dim3A_711 = vector.broadcast %broadcast_in_dim3A_710 : i32 to vector<16xi32>
      %add3A_712 = arith.constant 49 : i32
      %add3A_713 = vector.broadcast %add3A_712 : i32 to vector<16xi32>
      %add3A_714 = arith.addi %mul3A_19, %add3A_713 : vector<16xi32>
      %gather3A_715 = tpu.vector_load_idx %arg4[%add3A_714] : memref<65536xf32, #tpu.memory_space<vmem>>[vector<16xi32>], vector<16xf32>,
      %gt3A_716 = arith.cmpf ogt, %gather3A_715, %select_n3A_708 : vector<16xf32>
      %gt3A_717 = arith.cmpf ogt, %gather3A_715, %select_n3A_705 : vector<16xf32>
      %select_n3A_718 = arith.select %gt3A_717, %gather3A_715, %select_n3A_705 : vector<16xi1>, vector<16xf32>
      %select_n3A_719 = arith.select %gt3A_716, %select_n3A_708, %select_n3A_718 : vector<16xi1>, vector<16xf32>
      %select_n3A_720 = arith.select %gt3A_717, %broadcast_in_dim3A_711, %select_n3A_707 : vector<16xi1>, vector<16xi32>
      %select_n3A_721 = arith.select %gt3A_716, %select_n3A_709, %select_n3A_720 : vector<16xi1>, vector<16xi32>
      %select_n3A_722 = arith.select %gt3A_716, %gather3A_715, %select_n3A_708 : vector<16xi1>, vector<16xf32>
      %select_n3A_723 = arith.select %gt3A_716, %broadcast_in_dim3A_711, %select_n3A_709 : vector<16xi1>, vector<16xi32>
      %broadcast_in_dim3A_724 = arith.constant 50 : i32
      %broadcast_in_dim3A_725 = vector.broadcast %broadcast_in_dim3A_724 : i32 to vector<16xi32>
      %add3A_726 = arith.constant 50 : i32
      %add3A_727 = vector.broadcast %add3A_726 : i32 to vector<16xi32>
      %add3A_728 = arith.addi %mul3A_19, %add3A_727 : vector<16xi32>
      %gather3A_729 = tpu.vector_load_idx %arg4[%add3A_728] : memref<65536xf32, #tpu.memory_space<vmem>>[vector<16xi32>], vector<16xf32>,
      %gt3A_730 = arith.cmpf ogt, %gather3A_729, %select_n3A_722 : vector<16xf32>
      %gt3A_731 = arith.cmpf ogt, %gather3A_729, %select_n3A_719 : vector<16xf32>
      %select_n3A_732 = arith.select %gt3A_731, %gather3A_729, %select_n3A_719 : vector<16xi1>, vector<16xf32>
      %select_n3A_733 = arith.select %gt3A_730, %select_n3A_722, %select_n3A_732 : vector<16xi1>, vector<16xf32>
      %select_n3A_734 = arith.select %gt3A_731, %broadcast_in_dim3A_725, %select_n3A_721 : vector<16xi1>, vector<16xi32>
      %select_n3A_735 = arith.select %gt3A_730, %select_n3A_723, %select_n3A_734 : vector<16xi1>, vector<16xi32>
      %select_n3A_736 = arith.select %gt3A_730, %gather3A_729, %select_n3A_722 : vector<16xi1>, vector<16xf32>
      %select_n3A_737 = arith.select %gt3A_730, %broadcast_in_dim3A_725, %select_n3A_723 : vector<16xi1>, vector<16xi32>
      %broadcast_in_dim3A_738 = arith.constant 51 : i32
      %broadcast_in_dim3A_739 = vector.broadcast %broadcast_in_dim3A_738 : i32 to vector<16xi32>
      %add3A_740 = arith.constant 51 : i32
      %add3A_741 = vector.broadcast %add3A_740 : i32 to vector<16xi32>
      %add3A_742 = arith.addi %mul3A_19, %add3A_741 : vector<16xi32>
      %gather3A_743 = tpu.vector_load_idx %arg4[%add3A_742] : memref<65536xf32, #tpu.memory_space<vmem>>[vector<16xi32>], vector<16xf32>,
      %gt3A_744 = arith.cmpf ogt, %gather3A_743, %select_n3A_736 : vector<16xf32>
      %gt3A_745 = arith.cmpf ogt, %gather3A_743, %select_n3A_733 : vector<16xf32>
      %select_n3A_746 = arith.select %gt3A_745, %gather3A_743, %select_n3A_733 : vector<16xi1>, vector<16xf32>
      %select_n3A_747 = arith.select %gt3A_744, %select_n3A_736, %select_n3A_746 : vector<16xi1>, vector<16xf32>
      %select_n3A_748 = arith.select %gt3A_745, %broadcast_in_dim3A_739, %select_n3A_735 : vector<16xi1>, vector<16xi32>
      %select_n3A_749 = arith.select %gt3A_744, %select_n3A_737, %select_n3A_748 : vector<16xi1>, vector<16xi32>
      %select_n3A_750 = arith.select %gt3A_744, %gather3A_743, %select_n3A_736 : vector<16xi1>, vector<16xf32>
      %select_n3A_751 = arith.select %gt3A_744, %broadcast_in_dim3A_739, %select_n3A_737 : vector<16xi1>, vector<16xi32>
      %broadcast_in_dim3A_752 = arith.constant 52 : i32
      %broadcast_in_dim3A_753 = vector.broadcast %broadcast_in_dim3A_752 : i32 to vector<16xi32>
      %add3A_754 = arith.constant 52 : i32
      %add3A_755 = vector.broadcast %add3A_754 : i32 to vector<16xi32>
      %add3A_756 = arith.addi %mul3A_19, %add3A_755 : vector<16xi32>
      %gather3A_757 = tpu.vector_load_idx %arg4[%add3A_756] : memref<65536xf32, #tpu.memory_space<vmem>>[vector<16xi32>], vector<16xf32>,
      %gt3A_758 = arith.cmpf ogt, %gather3A_757, %select_n3A_750 : vector<16xf32>
      %gt3A_759 = arith.cmpf ogt, %gather3A_757, %select_n3A_747 : vector<16xf32>
      %select_n3A_760 = arith.select %gt3A_759, %gather3A_757, %select_n3A_747 : vector<16xi1>, vector<16xf32>
      %select_n3A_761 = arith.select %gt3A_758, %select_n3A_750, %select_n3A_760 : vector<16xi1>, vector<16xf32>
      %select_n3A_762 = arith.select %gt3A_759, %broadcast_in_dim3A_753, %select_n3A_749 : vector<16xi1>, vector<16xi32>
      %select_n3A_763 = arith.select %gt3A_758, %select_n3A_751, %select_n3A_762 : vector<16xi1>, vector<16xi32>
      %select_n3A_764 = arith.select %gt3A_758, %gather3A_757, %select_n3A_750 : vector<16xi1>, vector<16xf32>
      %select_n3A_765 = arith.select %gt3A_758, %broadcast_in_dim3A_753, %select_n3A_751 : vector<16xi1>, vector<16xi32>
      %broadcast_in_dim3A_766 = arith.constant 53 : i32
      %broadcast_in_dim3A_767 = vector.broadcast %broadcast_in_dim3A_766 : i32 to vector<16xi32>
      %add3A_768 = arith.constant 53 : i32
      %add3A_769 = vector.broadcast %add3A_768 : i32 to vector<16xi32>
      %add3A_770 = arith.addi %mul3A_19, %add3A_769 : vector<16xi32>
      %gather3A_771 = tpu.vector_load_idx %arg4[%add3A_770] : memref<65536xf32, #tpu.memory_space<vmem>>[vector<16xi32>], vector<16xf32>,
      %gt3A_772 = arith.cmpf ogt, %gather3A_771, %select_n3A_764 : vector<16xf32>
      %gt3A_773 = arith.cmpf ogt, %gather3A_771, %select_n3A_761 : vector<16xf32>
      %select_n3A_774 = arith.select %gt3A_773, %gather3A_771, %select_n3A_761 : vector<16xi1>, vector<16xf32>
      %select_n3A_775 = arith.select %gt3A_772, %select_n3A_764, %select_n3A_774 : vector<16xi1>, vector<16xf32>
      %select_n3A_776 = arith.select %gt3A_773, %broadcast_in_dim3A_767, %select_n3A_763 : vector<16xi1>, vector<16xi32>
      %select_n3A_777 = arith.select %gt3A_772, %select_n3A_765, %select_n3A_776 : vector<16xi1>, vector<16xi32>
      %select_n3A_778 = arith.select %gt3A_772, %gather3A_771, %select_n3A_764 : vector<16xi1>, vector<16xf32>
      %select_n3A_779 = arith.select %gt3A_772, %broadcast_in_dim3A_767, %select_n3A_765 : vector<16xi1>, vector<16xi32>
      %broadcast_in_dim3A_780 = arith.constant 54 : i32
      %broadcast_in_dim3A_781 = vector.broadcast %broadcast_in_dim3A_780 : i32 to vector<16xi32>
      %add3A_782 = arith.constant 54 : i32
      %add3A_783 = vector.broadcast %add3A_782 : i32 to vector<16xi32>
      %add3A_784 = arith.addi %mul3A_19, %add3A_783 : vector<16xi32>
      %gather3A_785 = tpu.vector_load_idx %arg4[%add3A_784] : memref<65536xf32, #tpu.memory_space<vmem>>[vector<16xi32>], vector<16xf32>,
      %gt3A_786 = arith.cmpf ogt, %gather3A_785, %select_n3A_778 : vector<16xf32>
      %gt3A_787 = arith.cmpf ogt, %gather3A_785, %select_n3A_775 : vector<16xf32>
      %select_n3A_788 = arith.select %gt3A_787, %gather3A_785, %select_n3A_775 : vector<16xi1>, vector<16xf32>
      %select_n3A_789 = arith.select %gt3A_786, %select_n3A_778, %select_n3A_788 : vector<16xi1>, vector<16xf32>
      %select_n3A_790 = arith.select %gt3A_787, %broadcast_in_dim3A_781, %select_n3A_777 : vector<16xi1>, vector<16xi32>
      %select_n3A_791 = arith.select %gt3A_786, %select_n3A_779, %select_n3A_790 : vector<16xi1>, vector<16xi32>
      %select_n3A_792 = arith.select %gt3A_786, %gather3A_785, %select_n3A_778 : vector<16xi1>, vector<16xf32>
      %select_n3A_793 = arith.select %gt3A_786, %broadcast_in_dim3A_781, %select_n3A_779 : vector<16xi1>, vector<16xi32>
      %broadcast_in_dim3A_794 = arith.constant 55 : i32
      %broadcast_in_dim3A_795 = vector.broadcast %broadcast_in_dim3A_794 : i32 to vector<16xi32>
      %add3A_796 = arith.constant 55 : i32
      %add3A_797 = vector.broadcast %add3A_796 : i32 to vector<16xi32>
      %add3A_798 = arith.addi %mul3A_19, %add3A_797 : vector<16xi32>
      %gather3A_799 = tpu.vector_load_idx %arg4[%add3A_798] : memref<65536xf32, #tpu.memory_space<vmem>>[vector<16xi32>], vector<16xf32>,
      %gt3A_800 = arith.cmpf ogt, %gather3A_799, %select_n3A_792 : vector<16xf32>
      %gt3A_801 = arith.cmpf ogt, %gather3A_799, %select_n3A_789 : vector<16xf32>
      %select_n3A_802 = arith.select %gt3A_801, %gather3A_799, %select_n3A_789 : vector<16xi1>, vector<16xf32>
      %select_n3A_803 = arith.select %gt3A_800, %select_n3A_792, %select_n3A_802 : vector<16xi1>, vector<16xf32>
      %select_n3A_804 = arith.select %gt3A_801, %broadcast_in_dim3A_795, %select_n3A_791 : vector<16xi1>, vector<16xi32>
      %select_n3A_805 = arith.select %gt3A_800, %select_n3A_793, %select_n3A_804 : vector<16xi1>, vector<16xi32>
      %select_n3A_806 = arith.select %gt3A_800, %gather3A_799, %select_n3A_792 : vector<16xi1>, vector<16xf32>
      %select_n3A_807 = arith.select %gt3A_800, %broadcast_in_dim3A_795, %select_n3A_793 : vector<16xi1>, vector<16xi32>
      %broadcast_in_dim3A_808 = arith.constant 56 : i32
      %broadcast_in_dim3A_809 = vector.broadcast %broadcast_in_dim3A_808 : i32 to vector<16xi32>
      %add3A_810 = arith.constant 56 : i32
      %add3A_811 = vector.broadcast %add3A_810 : i32 to vector<16xi32>
      %add3A_812 = arith.addi %mul3A_19, %add3A_811 : vector<16xi32>
      %gather3A_813 = tpu.vector_load_idx %arg4[%add3A_812] : memref<65536xf32, #tpu.memory_space<vmem>>[vector<16xi32>], vector<16xf32>,
      %gt3A_814 = arith.cmpf ogt, %gather3A_813, %select_n3A_806 : vector<16xf32>
      %gt3A_815 = arith.cmpf ogt, %gather3A_813, %select_n3A_803 : vector<16xf32>
      %select_n3A_816 = arith.select %gt3A_815, %gather3A_813, %select_n3A_803 : vector<16xi1>, vector<16xf32>
      %select_n3A_817 = arith.select %gt3A_814, %select_n3A_806, %select_n3A_816 : vector<16xi1>, vector<16xf32>
      %select_n3A_818 = arith.select %gt3A_815, %broadcast_in_dim3A_809, %select_n3A_805 : vector<16xi1>, vector<16xi32>
      %select_n3A_819 = arith.select %gt3A_814, %select_n3A_807, %select_n3A_818 : vector<16xi1>, vector<16xi32>
      %select_n3A_820 = arith.select %gt3A_814, %gather3A_813, %select_n3A_806 : vector<16xi1>, vector<16xf32>
      %select_n3A_821 = arith.select %gt3A_814, %broadcast_in_dim3A_809, %select_n3A_807 : vector<16xi1>, vector<16xi32>
      %broadcast_in_dim3A_822 = arith.constant 57 : i32
      %broadcast_in_dim3A_823 = vector.broadcast %broadcast_in_dim3A_822 : i32 to vector<16xi32>
      %add3A_824 = arith.constant 57 : i32
      %add3A_825 = vector.broadcast %add3A_824 : i32 to vector<16xi32>
      %add3A_826 = arith.addi %mul3A_19, %add3A_825 : vector<16xi32>
      %gather3A_827 = tpu.vector_load_idx %arg4[%add3A_826] : memref<65536xf32, #tpu.memory_space<vmem>>[vector<16xi32>], vector<16xf32>,
      %gt3A_828 = arith.cmpf ogt, %gather3A_827, %select_n3A_820 : vector<16xf32>
      %gt3A_829 = arith.cmpf ogt, %gather3A_827, %select_n3A_817 : vector<16xf32>
      %select_n3A_830 = arith.select %gt3A_829, %gather3A_827, %select_n3A_817 : vector<16xi1>, vector<16xf32>
      %select_n3A_831 = arith.select %gt3A_828, %select_n3A_820, %select_n3A_830 : vector<16xi1>, vector<16xf32>
      %select_n3A_832 = arith.select %gt3A_829, %broadcast_in_dim3A_823, %select_n3A_819 : vector<16xi1>, vector<16xi32>
      %select_n3A_833 = arith.select %gt3A_828, %select_n3A_821, %select_n3A_832 : vector<16xi1>, vector<16xi32>
      %select_n3A_834 = arith.select %gt3A_828, %gather3A_827, %select_n3A_820 : vector<16xi1>, vector<16xf32>
      %select_n3A_835 = arith.select %gt3A_828, %broadcast_in_dim3A_823, %select_n3A_821 : vector<16xi1>, vector<16xi32>
      %broadcast_in_dim3A_836 = arith.constant 58 : i32
      %broadcast_in_dim3A_837 = vector.broadcast %broadcast_in_dim3A_836 : i32 to vector<16xi32>
      %add3A_838 = arith.constant 58 : i32
      %add3A_839 = vector.broadcast %add3A_838 : i32 to vector<16xi32>
      %add3A_840 = arith.addi %mul3A_19, %add3A_839 : vector<16xi32>
      %gather3A_841 = tpu.vector_load_idx %arg4[%add3A_840] : memref<65536xf32, #tpu.memory_space<vmem>>[vector<16xi32>], vector<16xf32>,
      %gt3A_842 = arith.cmpf ogt, %gather3A_841, %select_n3A_834 : vector<16xf32>
      %gt3A_843 = arith.cmpf ogt, %gather3A_841, %select_n3A_831 : vector<16xf32>
      %select_n3A_844 = arith.select %gt3A_843, %gather3A_841, %select_n3A_831 : vector<16xi1>, vector<16xf32>
      %select_n3A_845 = arith.select %gt3A_842, %select_n3A_834, %select_n3A_844 : vector<16xi1>, vector<16xf32>
      %select_n3A_846 = arith.select %gt3A_843, %broadcast_in_dim3A_837, %select_n3A_833 : vector<16xi1>, vector<16xi32>
      %select_n3A_847 = arith.select %gt3A_842, %select_n3A_835, %select_n3A_846 : vector<16xi1>, vector<16xi32>
      %select_n3A_848 = arith.select %gt3A_842, %gather3A_841, %select_n3A_834 : vector<16xi1>, vector<16xf32>
      %select_n3A_849 = arith.select %gt3A_842, %broadcast_in_dim3A_837, %select_n3A_835 : vector<16xi1>, vector<16xi32>
      %broadcast_in_dim3A_850 = arith.constant 59 : i32
      %broadcast_in_dim3A_851 = vector.broadcast %broadcast_in_dim3A_850 : i32 to vector<16xi32>
      %add3A_852 = arith.constant 59 : i32
      %add3A_853 = vector.broadcast %add3A_852 : i32 to vector<16xi32>
      %add3A_854 = arith.addi %mul3A_19, %add3A_853 : vector<16xi32>
      %gather3A_855 = tpu.vector_load_idx %arg4[%add3A_854] : memref<65536xf32, #tpu.memory_space<vmem>>[vector<16xi32>], vector<16xf32>,
      %gt3A_856 = arith.cmpf ogt, %gather3A_855, %select_n3A_848 : vector<16xf32>
      %gt3A_857 = arith.cmpf ogt, %gather3A_855, %select_n3A_845 : vector<16xf32>
      %select_n3A_858 = arith.select %gt3A_857, %gather3A_855, %select_n3A_845 : vector<16xi1>, vector<16xf32>
      %select_n3A_859 = arith.select %gt3A_856, %select_n3A_848, %select_n3A_858 : vector<16xi1>, vector<16xf32>
      %select_n3A_860 = arith.select %gt3A_857, %broadcast_in_dim3A_851, %select_n3A_847 : vector<16xi1>, vector<16xi32>
      %select_n3A_861 = arith.select %gt3A_856, %select_n3A_849, %select_n3A_860 : vector<16xi1>, vector<16xi32>
      %select_n3A_862 = arith.select %gt3A_856, %gather3A_855, %select_n3A_848 : vector<16xi1>, vector<16xf32>
      %select_n3A_863 = arith.select %gt3A_856, %broadcast_in_dim3A_851, %select_n3A_849 : vector<16xi1>, vector<16xi32>
      %broadcast_in_dim3A_864 = arith.constant 60 : i32
      %broadcast_in_dim3A_865 = vector.broadcast %broadcast_in_dim3A_864 : i32 to vector<16xi32>
      %add3A_866 = arith.constant 60 : i32
      %add3A_867 = vector.broadcast %add3A_866 : i32 to vector<16xi32>
      %add3A_868 = arith.addi %mul3A_19, %add3A_867 : vector<16xi32>
      %gather3A_869 = tpu.vector_load_idx %arg4[%add3A_868] : memref<65536xf32, #tpu.memory_space<vmem>>[vector<16xi32>], vector<16xf32>,
      %gt3A_870 = arith.cmpf ogt, %gather3A_869, %select_n3A_862 : vector<16xf32>
      %gt3A_871 = arith.cmpf ogt, %gather3A_869, %select_n3A_859 : vector<16xf32>
      %select_n3A_872 = arith.select %gt3A_871, %gather3A_869, %select_n3A_859 : vector<16xi1>, vector<16xf32>
      %select_n3A_873 = arith.select %gt3A_870, %select_n3A_862, %select_n3A_872 : vector<16xi1>, vector<16xf32>
      %select_n3A_874 = arith.select %gt3A_871, %broadcast_in_dim3A_865, %select_n3A_861 : vector<16xi1>, vector<16xi32>
      %select_n3A_875 = arith.select %gt3A_870, %select_n3A_863, %select_n3A_874 : vector<16xi1>, vector<16xi32>
      %select_n3A_876 = arith.select %gt3A_870, %gather3A_869, %select_n3A_862 : vector<16xi1>, vector<16xf32>
      %select_n3A_877 = arith.select %gt3A_870, %broadcast_in_dim3A_865, %select_n3A_863 : vector<16xi1>, vector<16xi32>
      %broadcast_in_dim3A_878 = arith.constant 61 : i32
      %broadcast_in_dim3A_879 = vector.broadcast %broadcast_in_dim3A_878 : i32 to vector<16xi32>
      %add3A_880 = arith.constant 61 : i32
      %add3A_881 = vector.broadcast %add3A_880 : i32 to vector<16xi32>
      %add3A_882 = arith.addi %mul3A_19, %add3A_881 : vector<16xi32>
      %gather3A_883 = tpu.vector_load_idx %arg4[%add3A_882] : memref<65536xf32, #tpu.memory_space<vmem>>[vector<16xi32>], vector<16xf32>,
      %gt3A_884 = arith.cmpf ogt, %gather3A_883, %select_n3A_876 : vector<16xf32>
      %gt3A_885 = arith.cmpf ogt, %gather3A_883, %select_n3A_873 : vector<16xf32>
      %select_n3A_886 = arith.select %gt3A_885, %gather3A_883, %select_n3A_873 : vector<16xi1>, vector<16xf32>
      %select_n3A_887 = arith.select %gt3A_884, %select_n3A_876, %select_n3A_886 : vector<16xi1>, vector<16xf32>
      %select_n3A_888 = arith.select %gt3A_885, %broadcast_in_dim3A_879, %select_n3A_875 : vector<16xi1>, vector<16xi32>
      %select_n3A_889 = arith.select %gt3A_884, %select_n3A_877, %select_n3A_888 : vector<16xi1>, vector<16xi32>
      %select_n3A_890 = arith.select %gt3A_884, %gather3A_883, %select_n3A_876 : vector<16xi1>, vector<16xf32>
      %select_n3A_891 = arith.select %gt3A_884, %broadcast_in_dim3A_879, %select_n3A_877 : vector<16xi1>, vector<16xi32>
      %broadcast_in_dim3A_892 = arith.constant 62 : i32
      %broadcast_in_dim3A_893 = vector.broadcast %broadcast_in_dim3A_892 : i32 to vector<16xi32>
      %add3A_894 = arith.constant 62 : i32
      %add3A_895 = vector.broadcast %add3A_894 : i32 to vector<16xi32>
      %add3A_896 = arith.addi %mul3A_19, %add3A_895 : vector<16xi32>
      %gather3A_897 = tpu.vector_load_idx %arg4[%add3A_896] : memref<65536xf32, #tpu.memory_space<vmem>>[vector<16xi32>], vector<16xf32>,
      %gt3A_898 = arith.cmpf ogt, %gather3A_897, %select_n3A_890 : vector<16xf32>
      %gt3A_899 = arith.cmpf ogt, %gather3A_897, %select_n3A_887 : vector<16xf32>
      %select_n3A_900 = arith.select %gt3A_899, %gather3A_897, %select_n3A_887 : vector<16xi1>, vector<16xf32>
      %select_n3A_901 = arith.select %gt3A_898, %select_n3A_890, %select_n3A_900 : vector<16xi1>, vector<16xf32>
      %select_n3A_902 = arith.select %gt3A_899, %broadcast_in_dim3A_893, %select_n3A_889 : vector<16xi1>, vector<16xi32>
      %select_n3A_903 = arith.select %gt3A_898, %select_n3A_891, %select_n3A_902 : vector<16xi1>, vector<16xi32>
      %select_n3A_904 = arith.select %gt3A_898, %gather3A_897, %select_n3A_890 : vector<16xi1>, vector<16xf32>
      %select_n3A_905 = arith.select %gt3A_898, %broadcast_in_dim3A_893, %select_n3A_891 : vector<16xi1>, vector<16xi32>
      %broadcast_in_dim3A_906 = arith.constant 63 : i32
      %broadcast_in_dim3A_907 = vector.broadcast %broadcast_in_dim3A_906 : i32 to vector<16xi32>
      %add3A_908 = arith.constant 63 : i32
      %add3A_909 = vector.broadcast %add3A_908 : i32 to vector<16xi32>
      %add3A_910 = arith.addi %mul3A_19, %add3A_909 : vector<16xi32>
      %gather3A_911 = tpu.vector_load_idx %arg4[%add3A_910] : memref<65536xf32, #tpu.memory_space<vmem>>[vector<16xi32>], vector<16xf32>,
      %gt3A_912 = arith.cmpf ogt, %gather3A_911, %select_n3A_904 : vector<16xf32>
      %gt3A_913 = arith.cmpf ogt, %gather3A_911, %select_n3A_901 : vector<16xf32>
      %select_n3A_914 = arith.select %gt3A_913, %gather3A_911, %select_n3A_901 : vector<16xi1>, vector<16xf32>
      %select_n3A_915 = arith.select %gt3A_912, %select_n3A_904, %select_n3A_914 : vector<16xi1>, vector<16xf32>
      %select_n3A_916 = arith.select %gt3A_913, %broadcast_in_dim3A_907, %select_n3A_903 : vector<16xi1>, vector<16xi32>
      %select_n3A_917 = arith.select %gt3A_912, %select_n3A_905, %select_n3A_916 : vector<16xi1>, vector<16xi32>
      %select_n3A_918 = arith.select %gt3A_912, %gather3A_911, %select_n3A_904 : vector<16xi1>, vector<16xf32>
      %select_n3A_919 = arith.select %gt3A_912, %broadcast_in_dim3A_907, %select_n3A_905 : vector<16xi1>, vector<16xi32>
      %mul3A_920 = arith.constant 2 : i32
      %mul3A_921 = vector.broadcast %mul3A_920 : i32 to vector<16xi32>
      %mul3A_922 = arith.muli %add3A_16, %mul3A_921 : vector<16xi32>
      tpu.vector_store_idx %arg5[%mul3A_922], %select_n3A_919 : memref<2048xi32, #tpu.memory_space<vmem>>[vector<16xi32>], vector<16xi32>,
      %mul3A_923 = arith.constant 2 : i32
      %mul3A_924 = vector.broadcast %mul3A_923 : i32 to vector<16xi32>
      %mul3A_925 = arith.muli %add3A_16, %mul3A_924 : vector<16xi32>
      %add3A_926 = arith.constant 1 : i32
      %add3A_927 = vector.broadcast %add3A_926 : i32 to vector<16xi32>
      %add3A_928 = arith.addi %mul3A_925, %add3A_927 : vector<16xi32>
      tpu.vector_store_idx %arg5[%add3A_928], %select_n3A_917 : memref<2048xi32, #tpu.memory_space<vmem>>[vector<16xi32>], vector<16xi32>,
    }
    %scan3A_9 = arith.constant 64 : i32
    %mul3A_10 = arith.constant 2 : i32
    %mul3A_11 = arith.muli %mul3A_2, %mul3A_10 : i32
    "tpu.region"() ({
      %run_scoped3A = tpu.sem_alloc : memref<!tpu.dma_semaphore, #tpu.memory_space<semaphore_mem>>
      %dma_start3A = tpu.memref_slice %arg3[%mul3A_11] : memref<65536xi32, #tpu.memory_space<hbm>> -> memref<2048xi32, #tpu.memory_space<hbm>>
      %dma_start3A_12 = tpu.memref_slice %arg3[%mul3A_11] : memref<65536xi32, #tpu.memory_space<hbm>> -> memref<2048xi32, #tpu.memory_space<hbm>>
      tpu.enqueue_dma source(%arg5 : memref<2048xi32, #tpu.memory_space<vmem>>) target(%dma_start3A_12 : memref<2048xi32, #tpu.memory_space<hbm>>) target_semaphore(%run_scoped3A : memref<!tpu.dma_semaphore, #tpu.memory_space<semaphore_mem>>)
      %dma_wait3A = tpu.memref_slice %arg3[%mul3A_11] : memref<65536xi32, #tpu.memory_space<hbm>> -> memref<2048xi32, #tpu.memory_space<hbm>>
      %dma_wait3A_13 = tpu.memref_slice %arg3[%mul3A_11] : memref<65536xi32, #tpu.memory_space<hbm>> -> memref<2048xi32, #tpu.memory_space<hbm>>
      tpu.wait_dma2 semaphore(%run_scoped3A : memref<!tpu.dma_semaphore, #tpu.memory_space<semaphore_mem>>) src(%arg5 : memref<2048xi32, #tpu.memory_space<vmem>>) dst(%dma_wait3A_13 : memref<2048xi32, #tpu.memory_space<hbm>>)
      tpu.yield
    }) : () -> ()
    return
  }
}

module attributes {stable_mosaic.version = 14 : i64} {
  func.func @_router_body(%arg0: i32, %arg1: memref<4096x768xf32, #tpu.memory_space<vmem>>, %arg2: memref<768x64xf32, #tpu.memory_space<vmem>>, %arg3: memref<4096x64xf32, #tpu.memory_space<vmem>>, %arg4: memref<4096x64xf32, #tpu.memory_space<vmem>>) attributes {dimension_semantics = [#tpu.dimension_semantics<arbitrary>], iteration_bounds = array<i64: 8>, scalar_prefetch = 0 : i64, scratch_operands = 0 : i64, tpu.core_type = #tpu.core_type<tc>, window_params = [{transform_indices = @transform_0, window_bounds = array<i64: 4096, 768>}, {pipeline_mode = #tpu.pipeline_mode<synchronous>, transform_indices = @transform_1, window_bounds = array<i64: 768, 64>}, {transform_indices = @transform_2, window_bounds = array<i64: 4096, 64>}, {transform_indices = @transform_3, window_bounds = array<i64: 4096, 64>}]} {
    %get3A = arith.constant 0 : index
    %get3A_0 = arith.constant 0 : index
    %get3A_1 = vector.load %arg1[%get3A, %get3A_0] : memref<4096x768xf32, #tpu.memory_space<vmem>>, vector<4096x768xf32>
    %get3A_2 = arith.constant 0 : index
    %get3A_3 = arith.constant 0 : index
    %get3A_4 = vector.load %arg2[%get3A_2, %get3A_3] : memref<768x64xf32, #tpu.memory_space<vmem>>, vector<768x64xf32>
    %dot_general3A = arith.constant dense<0.000000e+00> : vector<4096x64xf32>
    %dot_general3A_5 = tpu.matmul %get3A_1, %get3A_4, %dot_general3A {dimension_numbers = #tpu.dot_dimension_numbers<[1], [0], [0], [1], [0, 0, 1, 1], [], []>, transpose_lhs_hint = false} : vector<4096x768xf32>, vector<768x64xf32>, vector<4096x64xf32> -> vector<4096x64xf32>
    %swap3A = arith.constant 0 : index
    %swap3A_6 = arith.constant 0 : index
    %swap3A_7 = vector.load %arg3[%swap3A, %swap3A_6] : memref<4096x64xf32, #tpu.memory_space<vmem>>, vector<4096x64xf32>
    tpu.vector_store %arg3[%swap3A, %swap3A_6], %dot_general3A_5 {strides = array<i32>} : memref<4096x64xf32, #tpu.memory_space<vmem>>, vector<4096x64xf32>,
    %reduce_max3A = arith.constant dense<0xFF800000> : vector<4096xf32>
    %reduce_max3A_8 = vector.multi_reduction <maximumf>, %dot_general3A_5, %reduce_max3A [1] : vector<4096x64xf32> to vector<4096xf32>
    %broadcast_in_dim3A = vector.shape_cast %reduce_max3A_8 : vector<4096xf32> to vector<4096x1xf32>
    %sub3A = vector.broadcast %broadcast_in_dim3A : vector<4096x1xf32> to vector<4096x64xf32>
    %sub3A_9 = arith.subf %dot_general3A_5, %sub3A : vector<4096x64xf32>
    %exp3A = math.exp %sub3A_9 : vector<4096x64xf32>
    %reduce_sum3A = arith.constant dense<0.000000e+00> : vector<4096xf32>
    %reduce_sum3A_10 = vector.multi_reduction <add>, %exp3A, %reduce_sum3A [1] : vector<4096x64xf32> to vector<4096xf32>
    %broadcast_in_dim3A_11 = vector.shape_cast %reduce_sum3A_10 : vector<4096xf32> to vector<4096x1xf32>
    %div3A = vector.broadcast %broadcast_in_dim3A_11 : vector<4096x1xf32> to vector<4096x64xf32>
    %div3A_12 = arith.divf %exp3A, %div3A : vector<4096x64xf32>
    %swap3A_13 = arith.constant 0 : index
    %swap3A_14 = arith.constant 0 : index
    %swap3A_15 = vector.load %arg4[%swap3A_13, %swap3A_14] : memref<4096x64xf32, #tpu.memory_space<vmem>>, vector<4096x64xf32>
    tpu.vector_store %arg4[%swap3A_13, %swap3A_14], %div3A_12 {strides = array<i32>} : memref<4096x64xf32, #tpu.memory_space<vmem>>, vector<4096x64xf32>,
    return
  }
  func.func @transform_0(%arg0: i32) -> (i32, i32) {
    %c0_i32 = arith.constant 0 : i32
    %c0_i32_0 = arith.constant 0 : i32
    return %arg0, %c0_i32 : i32, i32
  }
  func.func @transform_1(%arg0: i32) -> (i32, i32) {
    %c0_i32 = arith.constant 0 : i32
    %c0_i32_0 = arith.constant 0 : i32
    %c0_i32_1 = arith.constant 0 : i32
    return %c0_i32, %c0_i32_0 : i32, i32
  }
  func.func @transform_2(%arg0: i32) -> (i32, i32) {
    %c0_i32 = arith.constant 0 : i32
    %c0_i32_0 = arith.constant 0 : i32
    return %arg0, %c0_i32 : i32, i32
  }
  func.func @transform_3(%arg0: i32) -> (i32, i32) {
    %c0_i32 = arith.constant 0 : i32
    %c0_i32_0 = arith.constant 0 : i32
    return %arg0, %c0_i32 : i32, i32
  }
}

</mosaic_0001>

<sc_bundles>
// kernel: kernel.4.cloned.1.call-start
scs
__scs_entry_jumppad:
0x0: {  	(pc) =	sbr.rel $0x88, $3  }
0x1: {  	(tag) =	ssettag $0x0;
	lr =	simm.s32 $0x1  }
0x2: {  	[smem:$0x3F9F] =	sst lr;
	_ =	strace $0xD0000000  }
0x3: {  	_ = 	snop  }
0x4: {  	_ = 	snop  }
0x5: {  	_ = 	snop  }
0x6: {  	_ = 	snop  }
0x7: {  	_ = 	snop  }
__scs_overlays_trampoline_lowered:
0x8: {  	[smem:$0x3FAE] =	sst s0  }
0x9: {  	[smem:$0x3FAF] =	sst s1  }
0xa: {  	[smem:$0x3FB0] =	sst s2  }
0xb: {  	[smem:$0x3FB1] =	sst s3  }
0xc: {  	[smem:$0x3FB2] =	sst s4  }
0xd: {  	[smem:$0x3FB3] =	sst s5  }
0xe: {  	[smem:$0x3FB4] =	sst s6  }
0xf: {  	[smem:$0x3FB5] =	sst s7  }
0x10: {  	[smem:$0x3FB6] =	sst s8  }
0x11: {  	[smem:$0x3FB7] =	sst s9;
	s0 =	simm.s32 @!p0 $0x0  }
0x12: {  	s1 =	sld [smem:$0x3F9D];
	s0 =	simm.s32 @p0 $0x1  }
0x13: {  	[smem:$0x3FB8] =	sst s0;
	s0 =	simm.s32 @!p1 $0x0  }
0x14: {  	s2 =	sld [smem:$0x3F9C];
	s0 =	simm.s32 @p1 $0x1  }
0x15: {  	[smem:$0x3FB9] =	sst s0;
	s0 =	simm.s32 @!p2 $0x0  }
0x16: {  	s3 =	sld [smem:$0x3FDB];
	s0 =	simm.s32 @p2 $0x1  }
0x17: {  	s4 =	simm.s32 $0x1BF5;
	[smem:$0x3FBB] =	sst s0  }
0x18: {  	s0 =	sld [smem:$0x3F9E];
	_ =	swait.ge [sflag:s4], $0x0  }
0x19: {  	s7 =	sld [smem:$0x3F9F]  }
0x1a: {  	s8 =	sadd.s32 $0xFFFFE003, lr  }
0x1b: {  	s9 =	sadd.s32 $0xFFFFFEF7, lr;
	s5 =	simm.s32 $0xFFFFFFFF;
	p2 =	slt.u32 s8, $0xFFFFF086  }
0x1c: {  	p1 =	slt.u32 s9, $0xF7A;
	s5 =	simm.s32 @!p2 $0x0  }
0x1d: {  	s5 =	simm.s32 @p1 $0x1;
	p0 =	seq.s32 s7, s2  }
0x1e: {  	s7 =	smul.u32 @!p0 $0xF7A, s2;
	p2 =	seq.s32 @!p0 s5, $0x0  }
0x1f: {  	s9 =	smul.u32 $0xF7A, s1;
	s8 =	simm.s32 @!p0 $0x1BF5;
	p2 =	por !p2, p0  }
0x20: {  	[sflag:s8] =	ssyncset.s32 @!p0 $0xFFFFF086;
	s6 =	sadd.s32 @!p0 s3, s7;
	s7 =	simm.s32 @!p0 $0x108  }
0x21: {  	s3 =	sadd.s32 s3, s9;
	s6 =	sadd.s32 @!p0 $0x88, s6;
	s7 =	simm.s32 @p2 $0x1082  }
0x22: {  	[simem:s7], [sflag:s8] =	dma.local @!p0 [hbm:s6], $0xF7A  }
0x23: {  	s9 =	sor.u32 $0xD0000000, s2;
	s6 =	simm.s32 $0x108;
	_ =	swait.ge @!p0 [sflag:s8], $0x0  }
0x24: {  	s3 =	sadd.s32 $0x88, s3;
	s6 =	simm.s32 @!p1 $0x1082;
	[sflag:s4] =	ssyncset.s32 $0xFFFFF086  }
0x25: {  	[simem:s6], [sflag:s4] =	dma.local [hbm:s3], $0xF7A  }
0x26: {  	[smem:$0x3F9F] =	sst s1;
	(tag) =	ssettag s2;
	_ =	strace s9  }
0x27: {  	s1 =	sld [smem:$0x3FAF]  }
0x28: {  	s2 =	sld [smem:$0x3FB0]  }
0x29: {  	s4 =	sld [smem:$0x3FB2]  }
0x2a: {  	p0 =	seq.s32 s5, $0x0;
	s5 =	sld [smem:$0x3FB3]  }
0x2b: {  	s6 =	sld [smem:$0x3FB4]  }
0x2c: {  	s7 =	sld [smem:$0x3FB5]  }
0x2d: {  	s3 =	simm.s32 $0x108;
	s8 =	sld [smem:$0x3FB6]  }
0x2e: {  	s3 =	simm.s32 @!p0 $0x1082;
	s9 =	sld [smem:$0x3FB7]  }
0x2f: {  	lr =	sadd.s32 s0, s3;
	s0 =	sld [smem:$0x3FAE]  }
0x30: {  	s3 =	sld [smem:$0x3FB1]  }
0x31: {  	[smem:$0x3FBA] =	sst s10  }
0x32: {  	s10 =	sld [smem:$0x3FB8];
	_ =	sdelay $0x3  }
0x33: {  	p0 =	seq.s32 s10, $0x1;
	s10 =	sld [smem:$0x3FBA];
	_ =	sdelay $0x3  }
0x34: {  	[smem:$0x3FBA] =	sst s10  }
0x35: {  	s10 =	sld [smem:$0x3FB9];
	_ =	sdelay $0x3  }
0x36: {  	p1 =	seq.s32 s10, $0x1;
	s10 =	sld [smem:$0x3FBA];
	_ =	sdelay $0x3  }
0x37: {  	[smem:$0x3FBA] =	sst s10  }
0x38: {  	s10 =	sld [smem:$0x3FBB]  }
0x39: {  	_ = 	snop;
	(pc) =	sbr.ind lr, $3  }
0x3a: {  	_ = 	snop  }
0x3b: {  	_ = 	snop  }
0x3c: {  	p2 =	seq.s32 s10, $0x1;
	s10 =	sld [smem:$0x3FBA]  }
0x3d: {  	_ =	shalt  }
0x3e: {  	_ =	shalt  }
0x3f: {  	_ =	shalt  }
0x40: {  	_ =	shalt  }
0x41: {  	_ =	shalt  }
0x42: {  	_ =	shalt  }
0x43: {  	_ =	shalt  }
0x44: {  	_ =	shalt  }
0x45: {  	_ =	shalt  }
0x46: {  	_ =	shalt  }
0x47: {  	_ =	shalt  }
0x48: {  	_ =	shalt  }
0x49: {  	_ =	shalt  }
0x4a: {  	_ =	shalt  }
0x4b: {  	_ =	shalt  }
0x4c: {  	_ =	shalt  }
0x4d: {  	_ =	shalt  }
0x4e: {  	_ =	shalt  }
0x4f: {  	_ =	shalt  }
0x50: {  	_ =	shalt  }
0x51: {  	_ =	shalt  }
0x52: {  	_ =	shalt  }
0x53: {  	_ =	shalt  }
0x54: {  	_ =	shalt  }
0x55: {  	_ =	shalt  }
0x56: {  	_ =	shalt  }
0x57: {  	_ =	shalt  }
0x58: {  	_ =	shalt  }
0x59: {  	_ =	shalt  }
0x5a: {  	_ =	shalt  }
0x5b: {  	_ =	shalt  }
0x5c: {  	_ =	shalt  }
0x5d: {  	_ =	shalt  }
0x5e: {  	_ =	shalt  }
0x5f: {  	_ =	shalt  }
0x60: {  	_ =	shalt  }
0x61: {  	_ =	shalt  }
0x62: {  	_ =	shalt  }
0x63: {  	_ =	shalt  }
0x64: {  	_ =	shalt  }
0x65: {  	_ =	shalt  }
0x66: {  	_ =	shalt  }
0x67: {  	_ =	shalt  }
0x68: {  	_ =	shalt  }
0x69: {  	_ =	shalt  }
0x6a: {  	_ =	shalt  }
0x6b: {  	_ =	shalt  }
0x6c: {  	_ =	shalt  }
0x6d: {  	_ =	shalt  }
0x6e: {  	_ =	shalt  }
0x6f: {  	_ =	shalt  }
0x70: {  	_ =	shalt  }
0x71: {  	_ =	shalt  }
0x72: {  	_ =	shalt  }
0x73: {  	_ =	shalt  }
0x74: {  	_ =	shalt  }
0x75: {  	_ =	shalt  }
0x76: {  	_ =	shalt  }
0x77: {  	_ =	shalt  }
0x78: {  	_ =	shalt  }
0x79: {  	_ =	shalt  }
0x7a: {  	_ =	shalt  }
0x7b: {  	_ =	shalt  }
0x7c: {  	_ =	shalt  }
0x7d: {  	_ =	shalt  }
0x7e: {  	_ =	shalt  }
0x7f: {  	_ =	shalt  }
0x80: {  	_ =	shalt  }
0x81: {  	_ =	shalt  }
0x82: {  	_ =	shalt  }
0x83: {  	_ =	shalt  }
0x84: {  	_ =	shalt  }
0x85: {  	_ =	shalt  }
0x86: {  	_ =	shalt  }
0x87: {  	_ =	shalt  }
.Lfunc_end0:
.L_simem_size_0:
called_computation_lowered:
.L_overlay_start_0:
0x88: {  	s2 =	sld [smem:$0x3FD9]  }
0x89: {  	s3 =	sld [smem:$0x3FFE];
	_ =	sdelay $0x1  }
0x8a: {  	s1 =	srdreg.scid  }
0x8b: {  	s0 =	sand.u32 $0x1, s1  }
0x8c: {  	s14 =	sshll.u32 s0, $0xA;
	s2 =	sadd.s32 s3, s2  }
0x8d: {  	s2 =	sadd.s32 s2, s14  }
0x8e: {  	[smem:$0x3FC6] =	sst s2  }
0x8f: {  	_ = 	snop  }
0x90: {  	s2 =	sld [smem:$0x3FD0];
	_ =	sdelay $0x2  }
0x91: {  	s15 =	simm.s32 $0xA;
	s4 =	simm.s32 $0x10  }
0x92: {  	[smem:s4], [sflag:s15] =	dma.local [hbm:s2], $0x1  }
0x93: {  	_ =	swait.eq [sflag:s15], $0x1  }
0x94: {  	[sflag:s15] =	ssyncset.done $0x0  }
0x95: {  	[sflag:s15] =	ssyncadd.s32 $0xFFFFFFFF  }
0x96: {  	s16 =	sld [smem:$0x12];
	(tm) =	ssettm $0x1  }
0x97: {  	s17 =	sld [smem:$0x3FFB];
	_ =	sdelay $0x3  }
0x98: {  	_ =	strace s17  }
0x99: {  	s3 =	sld [smem:$0x3FFC];
	_ =	sdelay $0x3  }
0x9a: {  	_ =	strace s3  }
0x9b: {  	s3 =	sld [smem:$0x3FFD];
	_ =	sdelay $0x3  }
0x9c: {  	_ =	strace s3  }
0x9d: {  	_ =	strace $0x8FFFFFFF  }
0x9e: {  	s18 =	sld [smem:$0x3FDB];
	_ =	sdelay $0x1  }
0x9f: {  	s19 =	simm.s32 $_scs_section_size  }
0xa0: {  	s5 =	simm.s32 $_size__tile_overlayer_lowered;
	s6 =	simm.s32 $_tile_overlayer_lowered  }
0xa1: {  	s22 =	simm.s32 $0x1BFF;
	s21 =	sshll.u32 s6, $0x1;
	s3 =	sadd.s32 s19, s18  }
0xa2: {  	s7 =	simm.s32 $0x0;
	s20 =	sshll.u32 s5, $0x1;
	s5 =	sadd.s32 s21, s3  }
0xa3: {  	[timem:s7], [sflag:s22] =	dma.local [hbm:s5], s20  }
0xa4: {  	_ =	swait.ge [sflag:s22], s20  }
0xa5: {  	s4 =	ssub.s32 $0x0, s20;
	[sflag:s22] =	ssyncset.done $0x0  }
0xa6: {  	[sflag:s22] =	ssyncadd.s32 s4;
	_ =	sdelay $0x1  }
0xa7: {  	s23 =	simm.s32 $0x1B8B  }
0xa8: {  	_ =	swait.ge [sflag:s23], $0x1  }
0xa9: {  	[sflag:s23] =	ssyncset.done $0x0  }
0xaa: {  	s25 =	simm.s32 $0x1B8E;
	s24 =	sld [smem:$0x3FFE];
	[sflag:s23] =	ssyncadd.s32 $0xFFFFFFFF  }
0xab: {  	s26 =	simm.s32 $execute0_lowered;
	[smem:$0x3FD2] =	sst s25  }
0xac: {  	s5 =	sshll.u32 s26, $0x1;
	_ =	strace $0x80000046;
	[dreg:$0x1] =	wrdreg $0xFFFFFFFF  }
0xad: {  	s28 =	simm.s32 $_size_execute0_lowered;
	s3 =	sadd.s32 s3, s5;
	[dreg:$0x0] =	wrdreg $0x0  }
0xae: {  	s5 =	sshll.u32 s28, $0x1;
	[dreg:$0x2] =	wrdreg s3  }
0xaf: {  	[dreg:$0x3] =	wrdreg s5  }
0xb0: {  	[dreg:$0x4] =	wrdreg $0xC0  }
0xb1: {  	_ =	task [dreg:s7], $0x5FFFF  }
0xb2: {  	[dreg:$0x1] =	wrdreg $0xFFFFFFFF  }
0xb3: {  	[dreg:$0x0] =	wrdreg $0x60  }
0xb4: {  	[dreg:$0x2] =	wrdreg s24  }
0xb5: {  	[dreg:$0x3] =	wrdreg s16  }
0xb6: {  	[dreg:$0x4] =	wrdreg $0x9  }
0xb7: {  	_ =	task.clear_ibuf [dreg:s7], $0x5FFFF;
	_ =	strace $0x90000046  }
0xb8: {  	s29 =	simm.s32 $0x9;
	_ =	strace $0x80000048  }
0xb9: {  	_ =	swait.ge [sflag:s29], $0x1  }
0xba: {  	[sflag:s29] =	ssyncadd.s32 $0xFFFFFFFF  }
0xbb: {  	_ =	strace $0x90000048  }
0xbc: {  	_ =	sfence  }
0xbd: {  	s30 =	sld [smem:$0x0];
	_ =	sdelay $0x2  }
0xbe: {  	s31 =	sshll.u32 s1, $0xD;
	s1 =	sshrl.u32 s1, $0x2  }
0xbf: {  	s3 =	sand.u32 $0x4000, s31;
	s1 =	sadd.s32 s1, s30  }
0xc0: {  	s0 =	sor.u32 s3, s0;
	s1 =	sshll.u32 s1, $0x11  }
0xc1: {  	s0 =	sor.u32 s1, s0  }
0xc2: {  	s0 =	sadd.s32 $0x8F2B, s0  }
0xc3: {  	[sflag:s0] =	ssyncadd.remote.s32 $0x1  }
0xc4: {  	_ =	sfence.sel $0xFFFF  }
0xc5: {  	[dreg:$0x0] =	wrdreg $0xFFFFFFFF;
	(pc) =	sbr.abs _section_cstart, $3  }
0xc6: {  	[dreg:$0x1] =	wrdreg $0xFFFFFFFF  }
0xc7: {  	_ =	task.clear_ibuf [dreg:s7], $0x2FFFF;
	_ =	strace $0x9FFFFFFF  }
0xc8: {  	(tm) =	ssettm $0x7FFFFFFF  }
0xc9: {  	_ =	shalt  }
tec
execute0_lowered:
.L_overlay_start_1:
0x0: {  	(tag) =	ssettag $0x1  }
0x1: {  	s3 =	rddreg [dreg:$0x0]  }
0x2: {  	s4 =	rddreg [dreg:$0x1]  }
0x3: {  	s0 =	rddreg [dreg:$0x2]  }
0x4: {  	s5 =	srdreg.scid;
	s1 =	stileid.u32  }
0x5: {  	s2 =	simm.s32 $0x0;
	s5 =	sand.u32 $0x1, s5;
	s6 =	sshll.u32 s1, $0x1  }
0x6: {  	[smem:$0x7FF] =	sst s2;
	s6 =	sor.u32 s5, s6;
	s5 =	ssub.s32 $0x2, s5  }
0x7: {  	_ =	strace $0x80000047;
	s7 =	sshll.u32 s6, $0xD;
	s8 =	sshrl.u32 s5, $0x1  }
0x8: {  	s6 =	sshll.u32 s6, $0x8;
	s3 =	sadd.s32 s7, s3;
	s5 =	ssub.s32 s5, s8  }
0x9: {  	s4 =	sadd.s32 s4, s6;
	s6 =	simm.s32 $0x1;
	s7 =	simm.s32 $0x10000  }
0xa: {  	v0 =	vlaneseq.u32;
	v1 =	vimm.s32 $0x0;
	s8 =	simm.s32 $0x0;
	s3 =	sadd.s32 $0x80600, s3;
	s5 =	smax.u32 s5, $0x1  }
.LBB2_1:
0xb: {  	v2 =	vor.u32 s2, v0  }
0xc: {  	v3 =	vshll.u32 v2, $0x6  }
0xd: {  	[tilespmem:s2], [sflag:$0x1] =	stream.linear.gather [hbm4b:s3+s2], $0x10000, $0x38;
	v4 =	vor.u32 $0x1, v3;
	[tilespmem:$0x10800] =	vst v63  }
0xe: {  	_ =	swait.ge [sflag:s6], $0x10000  }
0xf: {  	[sflag:s6] =	ssyncset.done $0x0  }
0x10: {  	[sflag:s6] =	ssyncadd.s32 $0xFFFF0000  }
0x11: {  	v6 =	vor.u32 $0x2, v3;
	v5 =	vld.idx.msk [tilespmem:v3+s2+$0x0], $0xffff  }
0x12: {  	v4 =	vld.idx.msk [tilespmem:v4+s2+$0x0], $0xffff;
	_ =	sdelay $0x1  }
0x13: {  	v7 =	vor.u32 $0x3, v3;
	_ =	sdelay $0x1  }
0x14: {  	v8 =	vor.u32 $0x4, v3;
	v6 =	vld.idx.msk [tilespmem:v6+s2+$0x0], $0xffff;
	vm0 =	vgt.f32 v5, $-Inf  }
0x15: {  	v5 =	vnsel vm0, $0xFF800000, v5;
	vm0 =	vlt.f32 v4, $-Inf;
	vm1 =	vgt.f32 v4, $-Inf  }
0x16: {  	vm2 =	vgt.f32 v4, v5;
	vm0 =	vmor vm1, vm0  }
0x17: {  	v7 =	vld.idx.msk [tilespmem:v7+s2+$0x0], $0xffff;
	vm1 =	vmneg vm2;
	v9 =	vnsel vm0, $0xFF800000, v4  }
0x18: {  	v10 =	vor.u32 $0x5, v3;
	v12 =	vor.u32 $0x6, v3;
	v9 =	vsel vm1, v9, v5  }
0x19: {  	vm0 =	vmand vm0, vm1;
	v5 =	vsel vm1, v5, v4;
	vm1 =	vgt.f32 v6, v9  }
0x1a: {  	v8 =	vld.idx.msk [tilespmem:v8+s2+$0x0], $0xffff;
	v11 =	vsel vm2, $0x1, v1;
	vm2 =	vgt.f32 v6, v5;
	v9 =	vsel vm1, v6, v9  }
0x1b: {  	v18 =	vor.u32 $0x7, v3;
	v19 =	vor.u32 $0x8, v3;
	v9 =	vsel vm2, v5, v9  }
0x1c: {  	v13 =	vsel vm0, $0x1, v1;
	v5 =	vsel vm2, v6, v5;
	vm0 =	vgt.f32 v7, v9  }
0x1d: {  	v10 =	vld.idx.msk [tilespmem:v10+s2+$0x0], $0xffff;
	v6 =	vsel vm1, $0x2, v13;
	vm1 =	vgt.f32 v7, v5;
	v9 =	vsel vm0, v7, v9  }
0x1e: {  	v20 =	vor.u32 $0x9, v3;
	v6 =	vsel vm2, v11, v6;
	v9 =	vsel vm1, v5, v9  }
0x1f: {  	v11 =	vsel vm2, $0x2, v11;
	v5 =	vsel vm1, v7, v5;
	vm2 =	vgt.f32 v8, v9  }
0x20: {  	v6 =	vsel vm0, $0x3, v6;
	v7 =	vld.idx.msk [tilespmem:v12+s2+$0x0], $0xffff;
	vm0 =	vgt.f32 v8, v5;
	v9 =	vsel vm2, v8, v9  }
0x21: {  	v22 =	vor.u32 $0xA, v3;
	v6 =	vsel vm1, v11, v6;
	v9 =	vsel vm0, v5, v9  }
0x22: {  	v11 =	vsel vm1, $0x3, v11;
	v5 =	vsel vm0, v8, v5;
	vm1 =	vgt.f32 v10, v9  }
0x23: {  	v6 =	vsel vm2, $0x4, v6;
	v8 =	vld.idx.msk [tilespmem:v18+s2+$0x0], $0xffff;
	vm2 =	vgt.f32 v10, v5;
	v9 =	vsel vm1, v10, v9  }
0x24: {  	v23 =	vor.u32 $0xB, v3;
	v6 =	vsel vm0, v11, v6;
	v9 =	vsel vm2, v5, v9  }
0x25: {  	v11 =	vsel vm0, $0x4, v11;
	v5 =	vsel vm2, v10, v5;
	vm0 =	vgt.f32 v7, v9  }
0x26: {  	v21 =	vld.idx.msk [tilespmem:v19+s2+$0x0], $0xffff;
	v6 =	vsel vm1, $0x5, v6;
	vm1 =	vgt.f32 v7, v5;
	v9 =	vsel vm0, v7, v9  }
0x27: {  	v24 =	vor.u32 $0xC, v3;
	v6 =	vsel vm2, v11, v6;
	v9 =	vsel vm1, v5, v9  }
0x28: {  	v11 =	vsel vm2, $0x5, v11;
	v5 =	vsel vm1, v7, v5;
	vm2 =	vgt.f32 v8, v9  }
0x29: {  	v6 =	vsel vm0, $0x6, v6;
	v7 =	vld.idx.msk [tilespmem:v20+s2+$0x0], $0xffff;
	vm0 =	vgt.f32 v8, v5;
	v9 =	vsel vm2, v8, v9  }
0x2a: {  	v26 =	vor.u32 $0xD, v3;
	v6 =	vsel vm1, v11, v6;
	v9 =	vsel vm0, v5, v9  }
0x2b: {  	v11 =	vsel vm1, $0x6, v11;
	v5 =	vsel vm0, v8, v5;
	vm1 =	vgt.f32 v21, v9  }
0x2c: {  	v6 =	vsel vm2, $0x7, v6;
	v8 =	vld.idx.msk [tilespmem:v22+s2+$0x0], $0xffff;
	vm2 =	vgt.f32 v21, v5;
	v9 =	vsel vm1, v21, v9  }
0x2d: {  	v27 =	vor.u32 $0xE, v3;
	v6 =	vsel vm0, v11, v6;
	v9 =	vsel vm2, v5, v9  }
0x2e: {  	v11 =	vsel vm0, $0x7, v11;
	v5 =	vsel vm2, v21, v5;
	vm0 =	vgt.f32 v7, v9  }
0x2f: {  	v25 =	vld.idx.msk [tilespmem:v23+s2+$0x0], $0xffff;
	v6 =	vsel vm1, $0x8, v6;
	vm1 =	vgt.f32 v7, v5;
	v9 =	vsel vm0, v7, v9  }
0x30: {  	v28 =	vor.u32 $0xF, v3;
	v6 =	vsel vm2, v11, v6;
	v9 =	vsel vm1, v5, v9  }
0x31: {  	v11 =	vsel vm2, $0x8, v11;
	v5 =	vsel vm1, v7, v5;
	vm2 =	vgt.f32 v8, v9  }
0x32: {  	v6 =	vsel vm0, $0x9, v6;
	v7 =	vld.idx.msk [tilespmem:v24+s2+$0x0], $0xffff;
	vm0 =	vgt.f32 v8, v5;
	v9 =	vsel vm2, v8, v9  }
0x33: {  	v30 =	vor.u32 $0x10, v3;
	v6 =	vsel vm1, v11, v6;
	v9 =	vsel vm0, v5, v9  }
0x34: {  	v11 =	vsel vm1, $0x9, v11;
	v5 =	vsel vm0, v8, v5;
	vm1 =	vgt.f32 v25, v9  }
0x35: {  	v6 =	vsel vm2, $0xA, v6;
	v8 =	vld.idx.msk [tilespmem:v26+s2+$0x0], $0xffff;
	vm2 =	vgt.f32 v25, v5;
	v9 =	vsel vm1, v25, v9  }
0x36: {  	v31 =	vor.u32 $0x11, v3;
	v6 =	vsel vm0, v11, v6;
	v9 =	vsel vm2, v5, v9  }
0x37: {  	v11 =	vsel vm0, $0xA, v11;
	v5 =	vsel vm2, v25, v5;
	vm0 =	vgt.f32 v7, v9  }
0x38: {  	v29 =	vld.idx.msk [tilespmem:v27+s2+$0x0], $0xffff;
	v6 =	vsel vm1, $0xB, v6;
	vm1 =	vgt.f32 v7, v5;
	v9 =	vsel vm0, v7, v9  }
0x39: {  	v32 =	vor.u32 $0x12, v3;
	v6 =	vsel vm2, v11, v6;
	v9 =	vsel vm1, v5, v9  }
0x3a: {  	v11 =	vsel vm2, $0xB, v11;
	v5 =	vsel vm1, v7, v5;
	vm2 =	vgt.f32 v8, v9  }
0x3b: {  	v6 =	vsel vm0, $0xC, v6;
	v7 =	vld.idx.msk [tilespmem:v28+s2+$0x0], $0xffff;
	vm0 =	vgt.f32 v8, v5;
	v9 =	vsel vm2, v8, v9  }
0x3c: {  	v34 =	vor.u32 $0x13, v3;
	v6 =	vsel vm1, v11, v6;
	v9 =	vsel vm0, v5, v9  }
0x3d: {  	v11 =	vsel vm1, $0xC, v11;
	v5 =	vsel vm0, v8, v5;
	vm1 =	vgt.f32 v29, v9  }
0x3e: {  	v6 =	vsel vm2, $0xD, v6;
	v8 =	vld.idx.msk [tilespmem:v30+s2+$0x0], $0xffff;
	vm2 =	vgt.f32 v29, v5;
	v9 =	vsel vm1, v29, v9  }
0x3f: {  	v35 =	vor.u32 $0x14, v3;
	v6 =	vsel vm0, v11, v6;
	v9 =	vsel vm2, v5, v9  }
0x40: {  	v11 =	vsel vm0, $0xD, v11;
	v5 =	vsel vm2, v29, v5;
	vm0 =	vgt.f32 v7, v9  }
0x41: {  	v33 =	vld.idx.msk [tilespmem:v31+s2+$0x0], $0xffff;
	v6 =	vsel vm1, $0xE, v6;
	vm1 =	vgt.f32 v7, v5;
	v9 =	vsel vm0, v7, v9  }
0x42: {  	v36 =	vor.u32 $0x15, v3;
	v6 =	vsel vm2, v11, v6;
	v9 =	vsel vm1, v5, v9  }
0x43: {  	v11 =	vsel vm2, $0xE, v11;
	v5 =	vsel vm1, v7, v5;
	vm2 =	vgt.f32 v8, v9  }
0x44: {  	v6 =	vsel vm0, $0xF, v6;
	v7 =	vld.idx.msk [tilespmem:v32+s2+$0x0], $0xffff;
	vm0 =	vgt.f32 v8, v5;
	v9 =	vsel vm2, v8, v9  }
0x45: {  	v38 =	vor.u32 $0x16, v3;
	v6 =	vsel vm1, v11, v6;
	v9 =	vsel vm0, v5, v9  }
0x46: {  	v11 =	vsel vm1, $0xF, v11;
	v5 =	vsel vm0, v8, v5;
	vm1 =	vgt.f32 v33, v9  }
0x47: {  	v6 =	vsel vm2, $0x10, v6;
	v8 =	vld.idx.msk [tilespmem:v34+s2+$0x0], $0xffff;
	vm2 =	vgt.f32 v33, v5;
	v9 =	vsel vm1, v33, v9  }
0x48: {  	v39 =	vor.u32 $0x17, v3;
	v6 =	vsel vm0, v11, v6;
	v9 =	vsel vm2, v5, v9  }
0x49: {  	v11 =	vsel vm0, $0x10, v11;
	v5 =	vsel vm2, v33, v5;
	vm0 =	vgt.f32 v7, v9  }
0x4a: {  	v37 =	vld.idx.msk [tilespmem:v35+s2+$0x0], $0xffff;
	v6 =	vsel vm1, $0x11, v6;
	vm1 =	vgt.f32 v7, v5;
	v9 =	vsel vm0, v7, v9  }
0x4b: {  	v41 =	vor.u32 $0x18, v3;
	v6 =	vsel vm2, v11, v6;
	v9 =	vsel vm1, v5, v9  }
0x4c: {  	v11 =	vsel vm2, $0x11, v11;
	v5 =	vsel vm1, v7, v5;
	vm2 =	vgt.f32 v8, v9  }
0x4d: {  	v6 =	vsel vm0, $0x12, v6;
	v7 =	vld.idx.msk [tilespmem:v36+s2+$0x0], $0xffff;
	vm0 =	vgt.f32 v8, v5;
	v9 =	vsel vm2, v8, v9  }
0x4e: {  	v42 =	vor.u32 $0x19, v3;
	v6 =	vsel vm1, v11, v6;
	v9 =	vsel vm0, v5, v9  }
0x4f: {  	v6 =	vsel vm2, $0x13, v6;
	v5 =	vsel vm0, v8, v5;
	vm2 =	vgt.f32 v37, v9  }
0x50: {  	v40 =	vld.idx.msk [tilespmem:v38+s2+$0x0], $0xffff;
	v8 =	vsel vm1, $0x12, v11;
	vm1 =	vgt.f32 v37, v5;
	v9 =	vsel vm2, v37, v9  }
0x51: {  	v45 =	vor.u32 $0x1A, v3;
	v14 =	vsel vm0, $0x13, v8;
	v9 =	vsel vm1, v5, v9  }
0x52: {  	v6 =	vsel vm0, v8, v6;
	v5 =	vsel vm1, v37, v5;
	vm0 =	vgt.f32 v7, v9  }
0x53: {  	v8 =	vld.idx.msk [tilespmem:v39+s2+$0x0], $0xffff;
	v6 =	vsel vm2, $0x14, v6;
	vm2 =	vgt.f32 v7, v5;
	v9 =	vsel vm0, v7, v9  }
0x54: {  	v46 =	vor.u32 $0x1B, v3;
	v43 =	vsel vm1, $0x14, v14;
	v9 =	vsel vm2, v5, v9  }
0x55: {  	v6 =	vsel vm1, v14, v6;
	v5 =	vsel vm2, v7, v5;
	vm1 =	vgt.f32 v40, v9  }
0x56: {  	v6 =	vsel vm0, $0x15, v6;
	v7 =	vld.idx.msk [tilespmem:v41+s2+$0x0], $0xffff;
	vm0 =	vgt.f32 v40, v5;
	v9 =	vsel vm1, v40, v9  }
0x57: {  	v48 =	vor.u32 $0x1C, v3;
	v44 =	vsel vm2, $0x15, v43;
	v9 =	vsel vm0, v5, v9  }
0x58: {  	v6 =	vsel vm2, v43, v6;
	v5 =	vsel vm0, v40, v5;
	vm2 =	vgt.f32 v8, v9  }
0x59: {  	v10 =	vld.idx.msk [tilespmem:v42+s2+$0x0], $0xffff;
	v6 =	vsel vm1, $0x16, v6;
	vm1 =	vgt.f32 v8, v5;
	v9 =	vsel vm2, v8, v9  }
0x5a: {  	v50 =	vor.u32 $0x1D, v3;
	v6 =	vsel vm0, v44, v6;
	v9 =	vsel vm1, v5, v9  }
0x5b: {  	v6 =	vsel vm2, $0x17, v6;
	v5 =	vsel vm1, v8, v5;
	vm2 =	vgt.f32 v7, v9  }
0x5c: {  	v47 =	vld.idx.msk [tilespmem:v45+s2+$0x0], $0xffff;
	v8 =	vsel vm0, $0x16, v44;
	vm0 =	vgt.f32 v7, v5;
	v9 =	vsel vm2, v7, v9  }
0x5d: {  	v53 =	vor.u32 $0x1E, v3;
	v49 =	vsel vm1, $0x17, v8;
	v9 =	vsel vm0, v5, v9  }
0x5e: {  	v6 =	vsel vm1, v8, v6;
	v5 =	vsel vm0, v7, v5;
	vm1 =	vgt.f32 v10, v9  }
0x5f: {  	v6 =	vsel vm2, $0x18, v6;
	v7 =	vld.idx.msk [tilespmem:v46+s2+$0x0], $0xffff;
	vm2 =	vgt.f32 v10, v5;
	v8 =	vsel vm1, v10, v9  }
0x60: {  	v54 =	vor.u32 $0x1F, v3;
	v51 =	vsel vm0, $0x18, v49;
	v8 =	vsel vm2, v5, v8  }
0x61: {  	v6 =	vsel vm0, v49, v6;
	v5 =	vsel vm2, v10, v5;
	vm0 =	vgt.f32 v47, v8  }
0x62: {  	v52 =	vld.idx.msk [tilespmem:v48+s2+$0x0], $0xffff;
	v6 =	vsel vm1, $0x19, v6;
	vm1 =	vgt.f32 v47, v5;
	v8 =	vsel vm0, v47, v8  }
0x63: {  	v55 =	vor.u32 $0x20, v3;
	v11 =	vsel vm2, $0x19, v51;
	v8 =	vsel vm1, v5, v8  }
0x64: {  	v6 =	vsel vm2, v51, v6;
	v5 =	vsel vm1, v47, v5;
	vm2 =	vgt.f32 v7, v8  }
0x65: {  	v9 =	vld.idx.msk [tilespmem:v50+s2+$0x0], $0xffff;
	v6 =	vsel vm0, $0x1A, v6;
	vm0 =	vgt.f32 v7, v5;
	v8 =	vsel vm2, v7, v8  }
0x66: {  	v57 =	vor.u32 $0x21, v3;
	v6 =	vsel vm1, v11, v6;
	v8 =	vsel vm0, v5, v8  }
0x67: {  	v11 =	vsel vm1, $0x1A, v11;
	v5 =	vsel vm0, v7, v5;
	vm1 =	vgt.f32 v52, v8  }
0x68: {  	v6 =	vsel vm2, $0x1B, v6;
	v7 =	vld.idx.msk [tilespmem:v53+s2+$0x0], $0xffff;
	vm2 =	vgt.f32 v52, v5;
	v8 =	vsel vm1, v52, v8  }
0x69: {  	v60 =	vor.u32 $0x22, v3;
	v6 =	vsel vm0, v11, v6;
	v8 =	vsel vm2, v5, v8  }
0x6a: {  	v11 =	vsel vm0, $0x1B, v11;
	v5 =	vsel vm2, v52, v5;
	vm0 =	vgt.f32 v9, v8  }
0x6b: {  	v56 =	vld.idx.msk [tilespmem:v54+s2+$0x0], $0xffff;
	v6 =	vsel vm1, $0x1C, v6;
	vm1 =	vgt.f32 v9, v5;
	v8 =	vsel vm0, v9, v8  }
0x6c: {  	v62 =	vor.u32 $0x23, v3;
	v58 =	vsel vm2, $0x1C, v11;
	v8 =	vsel vm1, v5, v8  }
0x6d: {  	v6 =	vsel vm2, v11, v6;
	v5 =	vsel vm1, v9, v5;
	vm2 =	vgt.f32 v7, v8  }
0x6e: {  	v59 =	vld.idx.msk [tilespmem:v55+s2+$0x0], $0xffff;
	v6 =	vsel vm0, $0x1D, v6;
	vm0 =	vgt.f32 v7, v5;
	v8 =	vsel vm2, v7, v8  }
0x6f: {  	v16 =	vor.u32 $0x24, v3;
	v61 =	vsel vm1, $0x1D, v58;
	v8 =	vsel vm0, v5, v8  }
0x70: {  	v6 =	vsel vm1, v58, v6;
	v5 =	vsel vm0, v7, v5;
	vm1 =	vgt.f32 v56, v8  }
0x71: {  	v6 =	vsel vm2, $0x1E, v6;
	v7 =	vld.idx.msk [tilespmem:v57+s2+$0x0], $0xffff;
	vm2 =	vgt.f32 v56, v5;
	v8 =	vsel vm1, v56, v8  }
0x72: {  	v19 =	vor.u32 $0x26, v3;
	v13 =	vsel vm0, $0x1E, v61;
	v8 =	vsel vm2, v5, v8  }
0x73: {  	v6 =	vsel vm0, v61, v6;
	v5 =	vsel vm2, v56, v5;
	vm0 =	vgt.f32 v59, v8  }
0x74: {  	v63 =	vld.idx.msk [tilespmem:v60+s2+$0x0], $0xffff;
	v6 =	vsel vm1, $0x1F, v6;
	vm1 =	vgt.f32 v59, v5;
	v8 =	vsel vm0, v59, v8  }
0x75: {  	v23 =	vor.u32 $0x28, v3;
	v6 =	vsel vm2, v13, v6;
	v8 =	vsel vm1, v5, v8  }
0x76: {  	v13 =	vsel vm2, $0x1F, v13;
	v5 =	vsel vm1, v59, v5;
	vm2 =	vgt.f32 v7, v8  }
0x77: {  	v17 =	vld.idx.msk [tilespmem:v62+s2+$0x0], $0xffff;
	v6 =	vsel vm0, $0x20, v6;
	vm0 =	vgt.f32 v7, v5;
	v8 =	vsel vm2, v7, v8  }
0x78: {  	v18 =	vor.u32 $0x25, v3;
	v6 =	vsel vm1, v13, v6;
	v8 =	vsel vm0, v5, v8  }
0x79: {  	v13 =	vsel vm1, $0x20, v13;
	v5 =	vsel vm0, v7, v5;
	vm1 =	vgt.f32 v63, v8  }
0x7a: {  	v6 =	vsel vm2, $0x21, v6;
	v7 =	vld.idx.msk [tilespmem:v16+s2+$0x0], $0xffff;
	vm2 =	vgt.f32 v63, v5;
	v8 =	vsel vm1, v63, v8  }
0x7b: {  	v35 =	vor.u32 $0x32, v3;
	v6 =	vsel vm0, v13, v6;
	v8 =	vsel vm2, v5, v8  }
0x7c: {  	v13 =	vsel vm0, $0x21, v13;
	v5 =	vsel vm2, v63, v5;
	vm0 =	vgt.f32 v17, v8  }
0x7d: {  	v20 =	vld.idx.msk [tilespmem:v18+s2+$0x0], $0xffff;
	v6 =	vsel vm1, $0x22, v6;
	vm1 =	vgt.f32 v17, v5;
	v8 =	vsel vm0, v17, v8  }
0x7e: {  	v21 =	vor.u32 $0x27, v3;
	v6 =	vsel vm2, v13, v6;
	v8 =	vsel vm1, v5, v8  }
0x7f: {  	v13 =	vsel vm2, $0x22, v13;
	v5 =	vsel vm1, v17, v5;
	vm2 =	vgt.f32 v7, v8  }
0x80: {  	v22 =	vld.idx.msk [tilespmem:v19+s2+$0x0], $0xffff;
	v6 =	vsel vm0, $0x23, v6;
	vm0 =	vgt.f32 v7, v5;
	v8 =	vsel vm2, v7, v8  }
0x81: {  	v45 =	vor.u32 $0x34, v3;
	v6 =	vsel vm1, v13, v6;
	v8 =	vsel vm0, v5, v8  }
0x82: {  	v13 =	vsel vm1, $0x23, v13;
	v5 =	vsel vm0, v7, v5;
	vm1 =	vgt.f32 v20, v8  }
0x83: {  	v6 =	vsel vm2, $0x24, v6;
	v7 =	vld.idx.msk [tilespmem:v21+s2+$0x0], $0xffff;
	vm2 =	vgt.f32 v20, v5;
	v8 =	vsel vm1, v20, v8  }
0x84: {  	v24 =	vor.u32 $0x29, v3;
	v6 =	vsel vm0, v13, v6;
	v8 =	vsel vm2, v5, v8  }
0x85: {  	v13 =	vsel vm0, $0x24, v13;
	v5 =	vsel vm2, v20, v5;
	vm0 =	vgt.f32 v22, v8  }
0x86: {  	v25 =	vld.idx.msk [tilespmem:v23+s2+$0x0], $0xffff;
	v6 =	vsel vm1, $0x25, v6;
	vm1 =	vgt.f32 v22, v5;
	v8 =	vsel vm0, v22, v8  }
0x87: {  	v26 =	vor.u32 $0x2A, v3;
	v6 =	vsel vm2, v13, v6;
	v8 =	vsel vm1, v5, v8  }
0x88: {  	v13 =	vsel vm2, $0x25, v13;
	v5 =	vsel vm1, v22, v5;
	vm2 =	vgt.f32 v7, v8  }
0x89: {  	v27 =	vld.idx.msk [tilespmem:v24+s2+$0x0], $0xffff;
	v6 =	vsel vm0, $0x26, v6;
	vm0 =	vgt.f32 v7, v5;
	v8 =	vsel vm2, v7, v8  }
0x8a: {  	v28 =	vor.u32 $0x2B, v3;
	v6 =	vsel vm1, v13, v6;
	v8 =	vsel vm0, v5, v8  }
0x8b: {  	v13 =	vsel vm1, $0x26, v13;
	v5 =	vsel vm0, v7, v5;
	vm1 =	vgt.f32 v25, v8  }
0x8c: {  	v6 =	vsel vm2, $0x27, v6;
	v7 =	vld.idx.msk [tilespmem:v26+s2+$0x0], $0xffff;
	vm2 =	vgt.f32 v25, v5;
	v8 =	vsel vm1, v25, v8  }
0x8d: {  	v29 =	vor.u32 $0x2C, v3;
	v6 =	vsel vm0, v13, v6;
	v8 =	vsel vm2, v5, v8  }
0x8e: {  	v13 =	vsel vm0, $0x27, v13;
	v5 =	vsel vm2, v25, v5;
	vm0 =	vgt.f32 v27, v8  }
0x8f: {  	v30 =	vld.idx.msk [tilespmem:v28+s2+$0x0], $0xffff;
	v6 =	vsel vm1, $0x28, v6;
	vm1 =	vgt.f32 v27, v5;
	v8 =	vsel vm0, v27, v8  }
0x90: {  	v32 =	vor.u32 $0x2D, v3;
	v31 =	vsel vm2, $0x28, v13;
	v8 =	vsel vm1, v5, v8  }
0x91: {  	v6 =	vsel vm2, v13, v6;
	v5 =	vsel vm1, v27, v5;
	vm2 =	vgt.f32 v7, v8  }
0x92: {  	v33 =	vld.idx.msk [tilespmem:v29+s2+$0x0], $0xffff;
	v6 =	vsel vm0, $0x29, v6;
	vm0 =	vgt.f32 v7, v5;
	v8 =	vsel vm2, v7, v8  }
0x93: {  	v4 =	vor.u32 $0x2E, v3;
	v34 =	vsel vm1, $0x29, v31;
	v8 =	vsel vm0, v5, v8  }
0x94: {  	v6 =	vsel vm1, v31, v6;
	v5 =	vsel vm0, v7, v5;
	vm1 =	vgt.f32 v30, v8  }
0x95: {  	v6 =	vsel vm2, $0x2A, v6;
	v7 =	vld.idx.msk [tilespmem:v32+s2+$0x0], $0xffff;
	vm2 =	vgt.f32 v30, v5;
	v8 =	vsel vm1, v30, v8  }
0x96: {  	v36 =	vor.u32 $0x2F, v3;
	v11 =	vsel vm0, $0x2A, v34;
	v8 =	vsel vm2, v5, v8  }
0x97: {  	v6 =	vsel vm0, v34, v6;
	v5 =	vsel vm2, v30, v5;
	vm0 =	vgt.f32 v33, v8  }
0x98: {  	v4 =	vld.idx.msk [tilespmem:v4+s2+$0x0], $0xffff;
	v6 =	vsel vm1, $0x2B, v6;
	vm1 =	vgt.f32 v33, v5;
	v8 =	vsel vm0, v33, v8  }
0x99: {  	v37 =	vor.u32 $0x30, v3;
	v6 =	vsel vm2, v11, v6;
	v8 =	vsel vm1, v5, v8  }
0x9a: {  	v11 =	vsel vm2, $0x2B, v11;
	v5 =	vsel vm1, v33, v5;
	vm2 =	vgt.f32 v7, v8  }
0x9b: {  	v38 =	vld.idx.msk [tilespmem:v36+s2+$0x0], $0xffff;
	v6 =	vsel vm0, $0x2C, v6;
	vm0 =	vgt.f32 v7, v5;
	v8 =	vsel vm2, v7, v8  }
0x9c: {  	v39 =	vor.u32 $0x31, v3;
	v6 =	vsel vm1, v11, v6;
	v8 =	vsel vm0, v5, v8  }
0x9d: {  	v11 =	vsel vm1, $0x2C, v11;
	v5 =	vsel vm0, v7, v5;
	vm1 =	vgt.f32 v4, v8  }
0x9e: {  	v6 =	vsel vm2, $0x2D, v6;
	v7 =	vld.idx.msk [tilespmem:v37+s2+$0x0], $0xffff;
	vm2 =	vgt.f32 v4, v5;
	v8 =	vsel vm1, v4, v8  }
0x9f: {  	v54 =	vor.u32 $0x3B, v3;
	v40 =	vsel vm0, $0x2D, v11;
	v8 =	vsel vm2, v5, v8  }
0xa0: {  	v6 =	vsel vm0, v11, v6;
	v4 =	vsel vm2, v4, v5;
	vm0 =	vgt.f32 v38, v8  }
0xa1: {  	v41 =	vld.idx.msk [tilespmem:v39+s2+$0x0], $0xffff;
	v6 =	vsel vm1, $0x2E, v6;
	vm1 =	vgt.f32 v38, v4;
	v8 =	vsel vm0, v38, v8  }
0xa2: {  	v43 =	vor.u32 $0x33, v3;
	v5 =	vsel vm2, $0x2E, v40;
	v8 =	vsel vm1, v4, v8  }
0xa3: {  	v6 =	vsel vm2, v40, v6;
	v4 =	vsel vm1, v38, v4;
	vm2 =	vgt.f32 v7, v8  }
0xa4: {  	v44 =	vld.idx.msk [tilespmem:v35+s2+$0x0], $0xffff;
	v6 =	vsel vm0, $0x2F, v6;
	vm0 =	vgt.f32 v7, v4;
	v8 =	vsel vm2, v7, v8  }
0xa5: {  	v42 =	vor.u32 $0x38, v3;
	v6 =	vsel vm1, v5, v6;
	v8 =	vsel vm0, v4, v8  }
0xa6: {  	v5 =	vsel vm1, $0x2F, v5;
	v4 =	vsel vm0, v7, v4;
	vm1 =	vgt.f32 v41, v8  }
0xa7: {  	v6 =	vsel vm2, $0x30, v6;
	v7 =	vld.idx.msk [tilespmem:v43+s2+$0x0], $0xffff;
	vm2 =	vgt.f32 v41, v4;
	v8 =	vsel vm1, v41, v8  }
0xa8: {  	v46 =	vor.u32 $0x35, v3;
	v6 =	vsel vm0, v5, v6;
	v8 =	vsel vm2, v4, v8  }
0xa9: {  	v5 =	vsel vm0, $0x30, v5;
	v4 =	vsel vm2, v41, v4;
	vm0 =	vgt.f32 v44, v8  }
0xaa: {  	v10 =	vld.idx.msk [tilespmem:v45+s2+$0x0], $0xffff;
	v6 =	vsel vm1, $0x31, v6;
	vm1 =	vgt.f32 v44, v4;
	v8 =	vsel vm0, v44, v8  }
0xab: {  	v47 =	vor.u32 $0x36, v3;
	v6 =	vsel vm2, v5, v6;
	v8 =	vsel vm1, v4, v8  }
0xac: {  	v5 =	vsel vm2, $0x31, v5;
	v4 =	vsel vm1, v44, v4;
	vm2 =	vgt.f32 v7, v8  }
0xad: {  	v48 =	vld.idx.msk [tilespmem:v46+s2+$0x0], $0xffff;
	v6 =	vsel vm0, $0x32, v6;
	vm0 =	vgt.f32 v7, v4;
	v8 =	vsel vm2, v7, v8  }
0xae: {  	v49 =	vor.u32 $0x37, v3;
	v6 =	vsel vm1, v5, v6;
	v8 =	vsel vm0, v4, v8  }
0xaf: {  	v5 =	vsel vm1, $0x32, v5;
	v4 =	vsel vm0, v7, v4;
	vm1 =	vgt.f32 v10, v8  }
0xb0: {  	v6 =	vsel vm2, $0x33, v6;
	v7 =	vld.idx.msk [tilespmem:v47+s2+$0x0], $0xffff;
	vm2 =	vgt.f32 v10, v4;
	v8 =	vsel vm1, v10, v8  }
0xb1: {  	v51 =	vor.u32 $0x39, v3;
	v6 =	vsel vm0, v5, v6;
	v8 =	vsel vm2, v4, v8  }
0xb2: {  	v5 =	vsel vm0, $0x33, v5;
	v4 =	vsel vm2, v10, v4;
	vm0 =	vgt.f32 v48, v8  }
0xb3: {  	v50 =	vld.idx.msk [tilespmem:v49+s2+$0x0], $0xffff;
	v6 =	vsel vm1, $0x34, v6;
	vm1 =	vgt.f32 v48, v4;
	v8 =	vsel vm0, v48, v8  }
0xb4: {  	v53 =	vor.u32 $0x3A, v3;
	v6 =	vsel vm2, v5, v6;
	v8 =	vsel vm1, v4, v8  }
0xb5: {  	v6 =	vsel vm0, $0x35, v6;
	v4 =	vsel vm1, v48, v4;
	vm0 =	vgt.f32 v7, v8  }
0xb6: {  	v52 =	vld.idx.msk [tilespmem:v42+s2+$0x0], $0xffff;
	v5 =	vsel vm2, $0x34, v5;
	vm2 =	vgt.f32 v7, v4;
	v8 =	vsel vm0, v7, v8  }
0xb7: {  	v58 =	vor.u32 $0x3D, v3;
	v6 =	vsel vm1, v5, v6;
	v8 =	vsel vm2, v4, v8  }
0xb8: {  	v6 =	vsel vm0, $0x36, v6;
	v4 =	vsel vm2, v7, v4;
	vm0 =	vgt.f32 v50, v8  }
0xb9: {  	v5 =	vsel vm1, $0x35, v5;
	v7 =	vld.idx.msk [tilespmem:v51+s2+$0x0], $0xffff;
	vm1 =	vgt.f32 v50, v4;
	v8 =	vsel vm0, v50, v8  }
0xba: {  	v56 =	vor.u32 $0x3C, v3;
	v6 =	vsel vm2, v5, v6;
	v8 =	vsel vm1, v4, v8  }
0xbb: {  	v6 =	vsel vm0, $0x37, v6;
	v4 =	vsel vm1, v50, v4;
	vm0 =	vgt.f32 v52, v8  }
0xbc: {  	v55 =	vld.idx.msk [tilespmem:v53+s2+$0x0], $0xffff;
	v5 =	vsel vm2, $0x36, v5;
	vm2 =	vgt.f32 v52, v4;
	v8 =	vsel vm0, v52, v8  }
0xbd: {  	v59 =	vor.u32 $0x3E, v3;
	v6 =	vsel vm1, v5, v6;
	v8 =	vsel vm2, v4, v8  }
0xbe: {  	v6 =	vsel vm0, $0x38, v6;
	v4 =	vsel vm2, v52, v4;
	vm0 =	vgt.f32 v7, v8  }
0xbf: {  	v57 =	vld.idx.msk [tilespmem:v54+s2+$0x0], $0xffff;
	v5 =	vsel vm1, $0x37, v5;
	vm1 =	vgt.f32 v7, v4;
	v8 =	vsel vm0, v7, v8  }
0xc0: {  	v6 =	vsel vm2, v5, v6;
	v5 =	vsel vm2, $0x38, v5;
	v8 =	vsel vm1, v4, v8  }
0xc1: {  	v6 =	vsel vm0, $0x39, v6;
	v4 =	vsel vm1, v7, v4;
	vm0 =	vgt.f32 v55, v8  }
0xc2: {  	v6 =	vsel vm1, v5, v6;
	v7 =	vld.idx.msk [tilespmem:v56+s2+$0x0], $0xffff;
	vm2 =	vgt.f32 v55, v4;
	v8 =	vsel vm0, v55, v8  }
0xc3: {  	v5 =	vsel vm1, $0x39, v5;
	v6 =	vsel vm0, $0x3A, v6;
	v8 =	vsel vm2, v4, v8  }
0xc4: {  	v60 =	vsel vm2, $0x3A, v5;
	v4 =	vsel vm2, v55, v4;
	vm0 =	vgt.f32 v57, v8  }
0xc5: {  	v11 =	vld.idx.msk [tilespmem:v58+s2+$0x0], $0xffff;
	v5 =	vsel vm2, v5, v6;
	vm1 =	vgt.f32 v57, v4;
	v8 =	vsel vm0, v57, v8  }
0xc6: {  	v3 =	vor.u32 $0x3F, v3;
	v5 =	vsel vm0, $0x3B, v5;
	v6 =	vsel vm1, v4, v8  }
0xc7: {  	v61 =	vsel vm1, $0x3B, v60;
	v4 =	vsel vm1, v57, v4;
	vm0 =	vgt.f32 v7, v6  }
0xc8: {  	v5 =	vsel vm1, v60, v5;
	v8 =	vld.idx.msk [tilespmem:v59+s2+$0x0], $0xffff;
	vm2 =	vgt.f32 v7, v4;
	v6 =	vsel vm0, v7, v6  }
0xc9: {  	v5 =	vsel vm0, $0x3C, v5;
	v6 =	vsel vm2, v4, v6;
	v4 =	vsel vm2, v7, v4  }
0xca: {  	v5 =	vsel vm2, v61, v5;
	v7 =	vshll.u32 v2, $0x1;
	vm0 =	vgt.f32 v11, v6  }
0xcb: {  	v3 =	vld.idx.msk [tilespmem:v3+s2+$0x0], $0xffff;
	vm1 =	vgt.f32 v11, v4;
	v2 =	vsel vm0, v11, v6;
	v5 =	vsel vm0, $0x3D, v5  }
0xcc: {  	v6 =	vsel vm2, $0x3C, v61;
	v2 =	vsel vm1, v4, v2;
	v4 =	vsel vm1, v11, v4  }
0xcd: {  	v5 =	vsel vm1, v6, v5;
	v6 =	vsel vm1, $0x3D, v6;
	vm0 =	vgt.f32 v8, v2  }
0xce: {  	vm1 =	vgt.f32 v8, v4;
	v2 =	vsel vm0, v8, v2;
	v5 =	vsel vm0, $0x3E, v5  }
0xcf: {  	v62 =	vsel vm1, v4, v2;
	v2 =	vsel vm1, v8, v4;
	v8 =	vsel vm1, v6, v5  }
0xd0: {  	s9 =	simm.s32 $0x10;
	v4 =	vsel vm1, $0x3E, v6;
	v5 =	vor.u32 $0x1, v7;
	vm0 =	vgt.f32 v3, v2  }
0xd1: {  	v2 =	vor.u32 s9, v0;
	vm1 =	vgt.f32 v3, v62;
	v63 =	vsel vm0, $0x3F, v4  }
0xd2: {  	s9 =	simm.s32 $0x20;
	v3 =	vshll.u32 v2, $0x6;
	v6 =	vsel vm1, $0x3F, v8;
	[tilespmem:v7+s7+$0x0] =	vst.idx.msk $0xffff, v63  }
.LBB2_2:
0xd3: {  	p0 =	sne.s32 s9, $0x3F0;
	v7 =	vor.u32 $0x1, v3;
	v4 =	vsel vm0, v4, v6;
	s10 =	smov.u32 s9;
	s9 =	sadd.s32 $0x10, s9  }
0xd4: {  	_ = 	snop  }
0xd5: {  	[tilespmem:v5+s7+$0x0] =	vst.idx.msk $0xffff, v4;
	_ =	sdelay $0x1  }
0xd6: {  	v4 =	vor.u32 $0x2, v3;
	v5 =	vld.idx.msk [tilespmem:v3+s2+$0x0], $0xffff  }
0xd7: {  	v6 =	vld.idx.msk [tilespmem:v7+s2+$0x0], $0xffff;
	_ =	sdelay $0x1  }
0xd8: {  	v7 =	vor.u32 $0x3, v3;
	_ =	sdelay $0x1  }
0xd9: {  	v8 =	vld.idx.msk [tilespmem:v4+s2+$0x0], $0xffff  }
0xda: {  	v9 =	vor.u32 $0x4, v3;
	vm0 =	vgt.f32 v5, $-Inf;
	v4 =	vor.u32 $0x2E, v3  }
0xdb: {  	v5 =	vnsel vm0, $0xFF800000, v5;
	vm0 =	vlt.f32 v6, $-Inf;
	vm1 =	vgt.f32 v6, $-Inf  }
0xdc: {  	v10 =	vor.u32 $0x6, v3;
	vm2 =	vgt.f32 v6, v5;
	vm0 =	vmor vm1, vm0;
	v7 =	vld.idx.msk [tilespmem:v7+s2+$0x0], $0xffff  }
0xdd: {  	v12 =	vor.u32 $0x5, v3;
	vm1 =	vmneg vm2;
	v11 =	vnsel vm0, $0xFF800000, v6  }
0xde: {  	v13 =	vsel vm2, $0x1, v1;
	v11 =	vsel vm1, v11, v5;
	vm0 =	vmand vm0, vm1  }
0xdf: {  	v5 =	vsel vm1, v5, v6;
	v14 =	vsel vm0, $0x1, v1;
	vm0 =	vgt.f32 v8, v11;
	v6 =	vld.idx.msk [tilespmem:v9+s2+$0x0], $0xffff  }
0xe0: {  	vm1 =	vgt.f32 v8, v5;
	v9 =	vsel vm0, v8, v11;
	v11 =	vsel vm0, $0x2, v14  }
0xe1: {  	v9 =	vsel vm1, v5, v9;
	v11 =	vsel vm1, v13, v11;
	v13 =	vsel vm1, $0x2, v13  }
0xe2: {  	v5 =	vsel vm1, v8, v5;
	vm0 =	vgt.f32 v7, v9;
	v8 =	vld.idx.msk [tilespmem:v12+s2+$0x0], $0xffff;
	v12 =	vor.u32 $0x7, v3  }
0xe3: {  	vm1 =	vgt.f32 v7, v5;
	v9 =	vsel vm0, v7, v9;
	v11 =	vsel vm0, $0x3, v11  }
0xe4: {  	v9 =	vsel vm1, v5, v9;
	v11 =	vsel vm1, v13, v11;
	v13 =	vsel vm1, $0x3, v13  }
0xe5: {  	v5 =	vsel vm1, v7, v5;
	vm0 =	vgt.f32 v6, v9;
	v7 =	vld.idx.msk [tilespmem:v10+s2+$0x0], $0xffff;
	v10 =	vor.u32 $0x8, v3  }
0xe6: {  	vm1 =	vgt.f32 v6, v5;
	v9 =	vsel vm0, v6, v9;
	v11 =	vsel vm0, $0x4, v11  }
0xe7: {  	v9 =	vsel vm1, v5, v9;
	v11 =	vsel vm1, v13, v11;
	v13 =	vsel vm1, $0x4, v13  }
0xe8: {  	v5 =	vsel vm1, v6, v5;
	vm0 =	vgt.f32 v8, v9;
	v6 =	vld.idx.msk [tilespmem:v12+s2+$0x0], $0xffff;
	v12 =	vor.u32 $0x9, v3  }
0xe9: {  	vm1 =	vgt.f32 v8, v5;
	v9 =	vsel vm0, v8, v9;
	v11 =	vsel vm0, $0x5, v11  }
0xea: {  	v9 =	vsel vm1, v5, v9;
	v11 =	vsel vm1, v13, v11;
	v5 =	vsel vm1, v8, v5  }
0xeb: {  	v8 =	vsel vm1, $0x5, v13;
	v13 =	vor.u32 $0xA, v3;
	vm0 =	vgt.f32 v7, v9;
	v10 =	vld.idx.msk [tilespmem:v10+s2+$0x0], $0xffff  }
0xec: {  	vm1 =	vgt.f32 v7, v5;
	v9 =	vsel vm0, v7, v9;
	v11 =	vsel vm0, $0x6, v11  }
0xed: {  	v9 =	vsel vm1, v5, v9;
	v11 =	vsel vm1, v8, v11;
	v8 =	vsel vm1, $0x6, v8  }
0xee: {  	v5 =	vsel vm1, v7, v5;
	vm0 =	vgt.f32 v6, v9;
	v7 =	vld.idx.msk [tilespmem:v12+s2+$0x0], $0xffff;
	v12 =	vor.u32 $0xB, v3  }
0xef: {  	vm1 =	vgt.f32 v6, v5;
	v9 =	vsel vm0, v6, v9;
	v11 =	vsel vm0, $0x7, v11  }
0xf0: {  	v9 =	vsel vm1, v5, v9;
	v11 =	vsel vm1, v8, v11;
	v5 =	vsel vm1, v6, v5  }
0xf1: {  	v6 =	vsel vm1, $0x7, v8;
	vm0 =	vgt.f32 v10, v9;
	v8 =	vld.idx.msk [tilespmem:v13+s2+$0x0], $0xffff;
	v13 =	vor.u32 $0xC, v3  }
0xf2: {  	vm1 =	vgt.f32 v10, v5;
	v9 =	vsel vm0, v10, v9;
	v11 =	vsel vm0, $0x8, v11  }
0xf3: {  	v9 =	vsel vm1, v5, v9;
	v11 =	vsel vm1, v6, v11;
	v5 =	vsel vm1, v10, v5  }
0xf4: {  	v14 =	vor.u32 $0xE, v3;
	vm0 =	vgt.f32 v7, v9;
	v10 =	vld.idx.msk [tilespmem:v12+s2+$0x0], $0xffff;
	v12 =	vor.u32 $0xD, v3  }
0xf5: {  	v6 =	vsel vm1, $0x8, v6;
	vm1 =	vgt.f32 v7, v5;
	v9 =	vsel vm0, v7, v9  }
0xf6: {  	v11 =	vsel vm0, $0x9, v11;
	v9 =	vsel vm1, v5, v9;
	v5 =	vsel vm1, v7, v5  }
0xf7: {  	v7 =	vsel vm1, v6, v11;
	v6 =	vsel vm1, $0x9, v6;
	vm0 =	vgt.f32 v8, v9;
	v11 =	vld.idx.msk [tilespmem:v13+s2+$0x0], $0xffff  }
0xf8: {  	vm1 =	vgt.f32 v8, v5;
	v9 =	vsel vm0, v8, v9;
	v7 =	vsel vm0, $0xA, v7  }
0xf9: {  	v9 =	vsel vm1, v5, v9;
	v7 =	vsel vm1, v6, v7;
	v5 =	vsel vm1, v8, v5  }
0xfa: {  	v6 =	vsel vm1, $0xA, v6;
	vm0 =	vgt.f32 v10, v9;
	v8 =	vld.idx.msk [tilespmem:v12+s2+$0x0], $0xffff;
	v12 =	vor.u32 $0xF, v3  }
0xfb: {  	vm1 =	vgt.f32 v10, v5;
	v9 =	vsel vm0, v10, v9;
	v7 =	vsel vm0, $0xB, v7  }
0xfc: {  	v9 =	vsel vm1, v5, v9;
	v7 =	vsel vm1, v6, v7;
	v6 =	vsel vm1, $0xB, v6  }
0xfd: {  	v13 =	vor.u32 $0x10, v3;
	v5 =	vsel vm1, v10, v5;
	vm0 =	vgt.f32 v11, v9;
	v10 =	vld.idx.msk [tilespmem:v14+s2+$0x0], $0xffff  }
0xfe: {  	vm1 =	vgt.f32 v11, v5;
	v9 =	vsel vm0, v11, v9;
	v7 =	vsel vm0, $0xC, v7  }
0xff: {  	v9 =	vsel vm1, v5, v9;
	v7 =	vsel vm1, v6, v7;
	v6 =	vsel vm1, $0xC, v6  }
0x100: {  	v5 =	vsel vm1, v11, v5;
	vm0 =	vgt.f32 v8, v9;
	v11 =	vld.idx.msk [tilespmem:v12+s2+$0x0], $0xffff;
	v12 =	vor.u32 $0x11, v3  }
0x101: {  	vm1 =	vgt.f32 v8, v5;
	v9 =	vsel vm0, v8, v9;
	v7 =	vsel vm0, $0xD, v7  }
0x102: {  	v9 =	vsel vm1, v5, v9;
	v7 =	vsel vm1, v6, v7;
	v5 =	vsel vm1, v8, v5  }
0x103: {  	v6 =	vsel vm1, $0xD, v6;
	vm0 =	vgt.f32 v10, v9;
	v8 =	vld.idx.msk [tilespmem:v13+s2+$0x0], $0xffff;
	v13 =	vor.u32 $0x12, v3  }
0x104: {  	vm1 =	vgt.f32 v10, v5;
	v9 =	vsel vm0, v10, v9;
	v7 =	vsel vm0, $0xE, v7  }
0x105: {  	v9 =	vsel vm1, v5, v9;
	v7 =	vsel vm1, v6, v7;
	v6 =	vsel vm1, $0xE, v6  }
0x106: {  	v5 =	vsel vm1, v10, v5;
	vm0 =	vgt.f32 v11, v9;
	v10 =	vld.idx.msk [tilespmem:v12+s2+$0x0], $0xffff;
	v12 =	vor.u32 $0x13, v3  }
0x107: {  	vm1 =	vgt.f32 v11, v5;
	v9 =	vsel vm0, v11, v9;
	v7 =	vsel vm0, $0xF, v7  }
0x108: {  	v9 =	vsel vm1, v5, v9;
	v7 =	vsel vm1, v6, v7;
	v6 =	vsel vm1, $0xF, v6  }
0x109: {  	v5 =	vsel vm1, v11, v5;
	vm0 =	vgt.f32 v8, v9;
	v11 =	vld.idx.msk [tilespmem:v13+s2+$0x0], $0xffff;
	v13 =	vor.u32 $0x14, v3  }
0x10a: {  	vm1 =	vgt.f32 v8, v5;
	v9 =	vsel vm0, v8, v9;
	v7 =	vsel vm0, $0x10, v7  }
0x10b: {  	v14 =	vor.u32 $0x15, v3;
	v9 =	vsel vm1, v5, v9;
	v7 =	vsel vm1, v6, v7  }
0x10c: {  	v5 =	vsel vm1, v8, v5;
	v6 =	vsel vm1, $0x10, v6;
	vm0 =	vgt.f32 v10, v9;
	v8 =	vld.idx.msk [tilespmem:v12+s2+$0x0], $0xffff  }
0x10d: {  	vm1 =	vgt.f32 v10, v5;
	v9 =	vsel vm0, v10, v9;
	v7 =	vsel vm0, $0x11, v7  }
0x10e: {  	v12 =	vor.u32 $0x19, v3;
	v9 =	vsel vm1, v5, v9;
	v7 =	vsel vm1, v6, v7  }
0x10f: {  	v5 =	vsel vm1, v10, v5;
	vm0 =	vgt.f32 v11, v9;
	v10 =	vld.idx.msk [tilespmem:v13+s2+$0x0], $0xffff;
	v13 =	vor.u32 $0x17, v3  }
0x110: {  	v15 =	vor.u32 $0x16, v3;
	vm2 =	vgt.f32 v11, v5;
	v9 =	vsel vm0, v11, v9  }
0x111: {  	v6 =	vsel vm1, $0x11, v6;
	v7 =	vsel vm0, $0x12, v7;
	v9 =	vsel vm2, v5, v9  }
0x112: {  	v7 =	vsel vm2, v6, v7;
	v5 =	vsel vm2, v11, v5;
	vm0 =	vgt.f32 v8, v9;
	v11 =	vld.idx.msk [tilespmem:v14+s2+$0x0], $0xffff  }
0x113: {  	vm1 =	vgt.f32 v8, v5;
	v9 =	vsel vm0, v8, v9;
	v7 =	vsel vm0, $0x13, v7  }
0x114: {  	v6 =	vsel vm2, $0x12, v6;
	v14 =	vor.u32 $0x18, v3;
	v9 =	vsel vm1, v5, v9  }
0x115: {  	v5 =	vsel vm1, v8, v5;
	v8 =	vsel vm1, $0x13, v6;
	vm0 =	vgt.f32 v10, v9;
	v15 =	vld.idx.msk [tilespmem:v15+s2+$0x0], $0xffff  }
0x116: {  	v6 =	vsel vm1, v6, v7;
	vm1 =	vgt.f32 v10, v5;
	v7 =	vsel vm0, v10, v9  }
0x117: {  	v6 =	vsel vm0, $0x14, v6;
	v7 =	vsel vm1, v5, v7;
	v5 =	vsel vm1, v10, v5  }
0x118: {  	v6 =	vsel vm1, v8, v6;
	v8 =	vsel vm1, $0x14, v8;
	vm0 =	vgt.f32 v11, v7;
	v9 =	vld.idx.msk [tilespmem:v13+s2+$0x0], $0xffff  }
0x119: {  	vm1 =	vgt.f32 v11, v5;
	v7 =	vsel vm0, v11, v7;
	v6 =	vsel vm0, $0x15, v6  }
0x11a: {  	v10 =	vsel vm1, $0x15, v8;
	v7 =	vsel vm1, v5, v7;
	v5 =	vsel vm1, v11, v5  }
0x11b: {  	v6 =	vsel vm1, v8, v6;
	v11 =	vor.u32 $0x1A, v3;
	vm0 =	vgt.f32 v15, v7;
	v8 =	vld.idx.msk [tilespmem:v14+s2+$0x0], $0xffff  }
0x11c: {  	vm1 =	vgt.f32 v15, v5;
	v7 =	vsel vm0, v15, v7;
	v6 =	vsel vm0, $0x16, v6  }
0x11d: {  	v13 =	vor.u32 $0x1D, v3;
	v7 =	vsel vm1, v5, v7;
	v6 =	vsel vm1, v10, v6  }
0x11e: {  	v14 =	vor.u32 $0x1B, v3;
	v5 =	vsel vm1, v15, v5;
	vm0 =	vgt.f32 v9, v7;
	v12 =	vld.idx.msk [tilespmem:v12+s2+$0x0], $0xffff  }
0x11f: {  	vm2 =	vgt.f32 v9, v5;
	v7 =	vsel vm0, v9, v7;
	v6 =	vsel vm0, $0x17, v6  }
0x120: {  	v10 =	vsel vm1, $0x16, v10;
	v15 =	vor.u32 $0x1C, v3;
	v7 =	vsel vm2, v5, v7  }
0x121: {  	v5 =	vsel vm2, v9, v5;
	v9 =	vsel vm2, $0x17, v10;
	vm0 =	vgt.f32 v8, v7;
	v11 =	vld.idx.msk [tilespmem:v11+s2+$0x0], $0xffff  }
0x122: {  	v6 =	vsel vm2, v10, v6;
	vm1 =	vgt.f32 v8, v5;
	v7 =	vsel vm0, v8, v7  }
0x123: {  	v6 =	vsel vm0, $0x18, v6;
	v10 =	vsel vm1, $0x18, v9;
	v7 =	vsel vm1, v5, v7  }
0x124: {  	v6 =	vsel vm1, v9, v6;
	v5 =	vsel vm1, v8, v5;
	vm0 =	vgt.f32 v12, v7;
	v8 =	vld.idx.msk [tilespmem:v14+s2+$0x0], $0xffff  }
0x125: {  	vm1 =	vgt.f32 v12, v5;
	v7 =	vsel vm0, v12, v7;
	v6 =	vsel vm0, $0x19, v6  }
0x126: {  	v9 =	vsel vm1, $0x19, v10;
	v7 =	vsel vm1, v5, v7;
	v6 =	vsel vm1, v10, v6  }
0x127: {  	v5 =	vsel vm1, v12, v5;
	v12 =	vor.u32 $0x1E, v3;
	vm0 =	vgt.f32 v11, v7;
	v10 =	vld.idx.msk [tilespmem:v15+s2+$0x0], $0xffff  }
0x128: {  	vm1 =	vgt.f32 v11, v5;
	v7 =	vsel vm0, v11, v7;
	v6 =	vsel vm0, $0x1A, v6  }
0x129: {  	v7 =	vsel vm1, v5, v7;
	v6 =	vsel vm1, v9, v6;
	v9 =	vsel vm1, $0x1A, v9  }
0x12a: {  	v5 =	vsel vm1, v11, v5;
	vm0 =	vgt.f32 v8, v7;
	v11 =	vld.idx.msk [tilespmem:v13+s2+$0x0], $0xffff;
	v13 =	vor.u32 $0x1F, v3  }
0x12b: {  	vm1 =	vgt.f32 v8, v5;
	v7 =	vsel vm0, v8, v7;
	v6 =	vsel vm0, $0x1B, v6  }
0x12c: {  	v14 =	vor.u32 $0x21, v3;
	v7 =	vsel vm1, v5, v7;
	v6 =	vsel vm1, v9, v6  }
0x12d: {  	v5 =	vsel vm1, v8, v5;
	vm0 =	vgt.f32 v10, v7;
	v8 =	vld.idx.msk [tilespmem:v12+s2+$0x0], $0xffff;
	v12 =	vor.u32 $0x20, v3  }
0x12e: {  	v9 =	vsel vm1, $0x1B, v9;
	vm1 =	vgt.f32 v10, v5;
	v7 =	vsel vm0, v10, v7  }
0x12f: {  	v6 =	vsel vm0, $0x1C, v6;
	v15 =	vsel vm1, $0x1C, v9;
	v7 =	vsel vm1, v5, v7  }
0x130: {  	v6 =	vsel vm1, v9, v6;
	v5 =	vsel vm1, v10, v5;
	vm0 =	vgt.f32 v11, v7;
	v9 =	vld.idx.msk [tilespmem:v13+s2+$0x0], $0xffff  }
0x131: {  	vm1 =	vgt.f32 v11, v5;
	v7 =	vsel vm0, v11, v7;
	v6 =	vsel vm0, $0x1D, v6  }
0x132: {  	v10 =	vsel vm1, $0x1D, v15;
	v7 =	vsel vm1, v5, v7;
	v6 =	vsel vm1, v15, v6  }
0x133: {  	v5 =	vsel vm1, v11, v5;
	vm0 =	vgt.f32 v8, v7;
	v11 =	vld.idx.msk [tilespmem:v12+s2+$0x0], $0xffff;
	v12 =	vor.u32 $0x22, v3  }
0x134: {  	vm1 =	vgt.f32 v8, v5;
	v7 =	vsel vm0, v8, v7;
	v6 =	vsel vm0, $0x1E, v6  }
0x135: {  	v13 =	vor.u32 $0x23, v3;
	v7 =	vsel vm1, v5, v7;
	v6 =	vsel vm1, v10, v6  }
0x136: {  	v5 =	vsel vm1, v8, v5;
	v8 =	vsel vm1, $0x1E, v10;
	vm0 =	vgt.f32 v9, v7;
	v10 =	vld.idx.msk [tilespmem:v14+s2+$0x0], $0xffff  }
0x137: {  	vm1 =	vgt.f32 v9, v5;
	v7 =	vsel vm0, v9, v7;
	v6 =	vsel vm0, $0x1F, v6  }
0x138: {  	v14 =	vor.u32 $0x24, v3;
	v7 =	vsel vm1, v5, v7;
	v6 =	vsel vm1, v8, v6  }
0x139: {  	v5 =	vsel vm1, v9, v5;
	v8 =	vsel vm1, $0x1F, v8;
	vm0 =	vgt.f32 v11, v7;
	v9 =	vld.idx.msk [tilespmem:v12+s2+$0x0], $0xffff  }
0x13a: {  	vm1 =	vgt.f32 v11, v5;
	v7 =	vsel vm0, v11, v7;
	v6 =	vsel vm0, $0x20, v6  }
0x13b: {  	v7 =	vsel vm1, v5, v7;
	v6 =	vsel vm1, v8, v6;
	v8 =	vsel vm1, $0x20, v8  }
0x13c: {  	v12 =	vor.u32 $0x25, v3;
	v5 =	vsel vm1, v11, v5;
	vm0 =	vgt.f32 v10, v7;
	v11 =	vld.idx.msk [tilespmem:v13+s2+$0x0], $0xffff  }
0x13d: {  	vm1 =	vgt.f32 v10, v5;
	v7 =	vsel vm0, v10, v7;
	v6 =	vsel vm0, $0x21, v6  }
0x13e: {  	v7 =	vsel vm1, v5, v7;
	v6 =	vsel vm1, v8, v6;
	v8 =	vsel vm1, $0x21, v8  }
0x13f: {  	v13 =	vor.u32 $0x26, v3;
	v5 =	vsel vm1, v10, v5;
	vm0 =	vgt.f32 v9, v7;
	v10 =	vld.idx.msk [tilespmem:v14+s2+$0x0], $0xffff  }
0x140: {  	vm1 =	vgt.f32 v9, v5;
	v7 =	vsel vm0, v9, v7;
	v6 =	vsel vm0, $0x22, v6  }
0x141: {  	v14 =	vor.u32 $0x27, v3;
	v7 =	vsel vm1, v5, v7;
	v6 =	vsel vm1, v8, v6  }
0x142: {  	v5 =	vsel vm1, v9, v5;
	v8 =	vsel vm1, $0x22, v8;
	vm0 =	vgt.f32 v11, v7;
	v9 =	vld.idx.msk [tilespmem:v12+s2+$0x0], $0xffff  }
0x143: {  	vm1 =	vgt.f32 v11, v5;
	v7 =	vsel vm0, v11, v7;
	v6 =	vsel vm0, $0x23, v6  }
0x144: {  	v7 =	vsel vm1, v5, v7;
	v6 =	vsel vm1, v8, v6;
	v8 =	vsel vm1, $0x23, v8  }
0x145: {  	v12 =	vor.u32 $0x28, v3;
	v5 =	vsel vm1, v11, v5;
	vm0 =	vgt.f32 v10, v7;
	v11 =	vld.idx.msk [tilespmem:v13+s2+$0x0], $0xffff  }
0x146: {  	vm1 =	vgt.f32 v10, v5;
	v7 =	vsel vm0, v10, v7;
	v6 =	vsel vm0, $0x24, v6  }
0x147: {  	v7 =	vsel vm1, v5, v7;
	v6 =	vsel vm1, v8, v6;
	v8 =	vsel vm1, $0x24, v8  }
0x148: {  	v13 =	vor.u32 $0x29, v3;
	v5 =	vsel vm1, v10, v5;
	vm0 =	vgt.f32 v9, v7;
	v10 =	vld.idx.msk [tilespmem:v14+s2+$0x0], $0xffff  }
0x149: {  	vm1 =	vgt.f32 v9, v5;
	v7 =	vsel vm0, v9, v7;
	v6 =	vsel vm0, $0x25, v6  }
0x14a: {  	v14 =	vor.u32 $0x2A, v3;
	v7 =	vsel vm1, v5, v7;
	v6 =	vsel vm1, v8, v6  }
0x14b: {  	v5 =	vsel vm1, v9, v5;
	v8 =	vsel vm1, $0x25, v8;
	vm0 =	vgt.f32 v11, v7;
	v9 =	vld.idx.msk [tilespmem:v12+s2+$0x0], $0xffff  }
0x14c: {  	vm1 =	vgt.f32 v11, v5;
	v7 =	vsel vm0, v11, v7;
	v6 =	vsel vm0, $0x26, v6  }
0x14d: {  	v7 =	vsel vm1, v5, v7;
	v6 =	vsel vm1, v8, v6;
	v5 =	vsel vm1, v11, v5  }
0x14e: {  	v12 =	vor.u32 $0x2B, v3;
	vm0 =	vgt.f32 v10, v7;
	v11 =	vld.idx.msk [tilespmem:v13+s2+$0x0], $0xffff;
	v13 =	vor.u32 $0x2C, v3  }
0x14f: {  	v8 =	vsel vm1, $0x26, v8;
	vm1 =	vgt.f32 v10, v5;
	v7 =	vsel vm0, v10, v7  }
0x150: {  	v6 =	vsel vm0, $0x27, v6;
	v7 =	vsel vm1, v5, v7;
	v5 =	vsel vm1, v10, v5  }
0x151: {  	v6 =	vsel vm1, v8, v6;
	v8 =	vsel vm1, $0x27, v8;
	vm0 =	vgt.f32 v9, v7;
	v10 =	vld.idx.msk [tilespmem:v14+s2+$0x0], $0xffff  }
0x152: {  	vm1 =	vgt.f32 v9, v5;
	v7 =	vsel vm0, v9, v7;
	v6 =	vsel vm0, $0x28, v6  }
0x153: {  	v7 =	vsel vm1, v5, v7;
	v5 =	vsel vm1, v9, v5;
	v9 =	vsel vm1, $0x28, v8  }
0x154: {  	v6 =	vsel vm1, v8, v6;
	vm0 =	vgt.f32 v11, v7;
	v8 =	vld.idx.msk [tilespmem:v12+s2+$0x0], $0xffff;
	v12 =	vor.u32 $0x2D, v3  }
0x155: {  	vm1 =	vgt.f32 v11, v5;
	v7 =	vsel vm0, v11, v7;
	v6 =	vsel vm0, $0x29, v6  }
0x156: {  	v7 =	vsel vm1, v5, v7;
	v6 =	vsel vm1, v9, v6;
	v5 =	vsel vm1, v11, v5  }
0x157: {  	v9 =	vsel vm1, $0x29, v9;
	vm0 =	vgt.f32 v10, v5;
	vm1 =	vgt.f32 v10, v7;
	v11 =	vld.idx.msk [tilespmem:v13+s2+$0x0], $0xffff  }
0x158: {  	v7 =	vsel vm1, v10, v7;
	v6 =	vsel vm1, $0x2A, v6;
	v10 =	vsel vm0, v10, v5  }
0x159: {  	v5 =	vsel vm0, v5, v7;
	v6 =	vsel vm0, v9, v6;
	v7 =	vor.u32 $0x32, v3  }
0x15a: {  	v13 =	vor.u32 $0x2F, v3;
	v9 =	vsel vm0, $0x2A, v9;
	vm0 =	vgt.f32 v8, v5;
	v12 =	vld.idx.msk [tilespmem:v12+s2+$0x0], $0xffff  }
0x15b: {  	vm1 =	vgt.f32 v8, v10;
	v5 =	vsel vm0, v8, v5;
	v6 =	vsel vm0, $0x2B, v6  }
0x15c: {  	v14 =	vor.u32 $0x30, v3;
	v5 =	vsel vm1, v10, v5;
	v6 =	vsel vm1, v9, v6  }
0x15d: {  	v8 =	vsel vm1, v8, v10;
	v9 =	vsel vm1, $0x2B, v9;
	vm0 =	vgt.f32 v11, v5;
	v4 =	vld.idx.msk [tilespmem:v4+s2+$0x0], $0xffff  }
0x15e: {  	vm1 =	vgt.f32 v11, v8;
	v5 =	vsel vm0, v11, v5;
	v6 =	vsel vm0, $0x2C, v6  }
0x15f: {  	v5 =	vsel vm1, v8, v5;
	v6 =	vsel vm1, v9, v6;
	v9 =	vsel vm1, $0x2C, v9  }
0x160: {  	v8 =	vsel vm1, v11, v8;
	v11 =	vor.u32 $0x31, v3;
	vm0 =	vgt.f32 v12, v5;
	v10 =	vld.idx.msk [tilespmem:v13+s2+$0x0], $0xffff  }
0x161: {  	vm1 =	vgt.f32 v12, v8;
	v5 =	vsel vm0, v12, v5;
	v6 =	vsel vm0, $0x2D, v6  }
0x162: {  	v5 =	vsel vm1, v8, v5;
	v6 =	vsel vm1, v9, v6;
	v8 =	vsel vm1, v12, v8  }
0x163: {  	v9 =	vsel vm1, $0x2D, v9;
	vm0 =	vgt.f32 v4, v8;
	vm1 =	vgt.f32 v4, v5;
	v12 =	vld.idx.msk [tilespmem:v14+s2+$0x0], $0xffff  }
0x164: {  	v5 =	vsel vm1, v4, v5;
	v4 =	vsel vm0, v4, v8;
	v13 =	vsel vm0, $0x2E, v9  }
0x165: {  	v6 =	vsel vm1, $0x2E, v6;
	v5 =	vsel vm0, v8, v5;
	v8 =	vor.u32 $0x38, v3  }
0x166: {  	v6 =	vsel vm0, v9, v6;
	vm0 =	vgt.f32 v10, v5;
	v9 =	vld.idx.msk [tilespmem:v11+s2+$0x0], $0xffff;
	v11 =	vor.u32 $0x33, v3  }
0x167: {  	vm1 =	vgt.f32 v10, v4;
	v5 =	vsel vm0, v10, v5;
	v6 =	vsel vm0, $0x2F, v6  }
0x168: {  	v5 =	vsel vm1, v4, v5;
	v6 =	vsel vm1, v13, v6;
	v4 =	vsel vm1, v10, v4  }
0x169: {  	v10 =	vsel vm1, $0x2F, v13;
	v13 =	vor.u32 $0x34, v3;
	vm0 =	vgt.f32 v12, v5;
	v7 =	vld.idx.msk [tilespmem:v7+s2+$0x0], $0xffff  }
0x16a: {  	vm1 =	vgt.f32 v12, v4;
	v5 =	vsel vm0, v12, v5;
	v6 =	vsel vm0, $0x30, v6  }
0x16b: {  	v5 =	vsel vm1, v4, v5;
	v6 =	vsel vm1, v10, v6;
	v4 =	vsel vm1, v12, v4  }
0x16c: {  	v10 =	vsel vm1, $0x30, v10;
	v12 =	vor.u32 $0x35, v3;
	vm0 =	vgt.f32 v9, v5;
	v11 =	vld.idx.msk [tilespmem:v11+s2+$0x0], $0xffff  }
0x16d: {  	vm1 =	vgt.f32 v9, v4;
	v5 =	vsel vm0, v9, v5;
	v6 =	vsel vm0, $0x31, v6  }
0x16e: {  	v14 =	vor.u32 $0x36, v3;
	v5 =	vsel vm1, v4, v5;
	v6 =	vsel vm1, v10, v6  }
0x16f: {  	v4 =	vsel vm1, v9, v4;
	v9 =	vsel vm1, $0x31, v10;
	vm0 =	vgt.f32 v7, v5;
	v10 =	vld.idx.msk [tilespmem:v13+s2+$0x0], $0xffff  }
0x170: {  	vm1 =	vgt.f32 v7, v4;
	v5 =	vsel vm0, v7, v5;
	v6 =	vsel vm0, $0x32, v6  }
0x171: {  	v13 =	vor.u32 $0x37, v3;
	v5 =	vsel vm1, v4, v5;
	v6 =	vsel vm1, v9, v6  }
0x172: {  	v4 =	vsel vm1, v7, v4;
	v7 =	vsel vm1, $0x32, v9;
	vm0 =	vgt.f32 v11, v5;
	v9 =	vld.idx.msk [tilespmem:v12+s2+$0x0], $0xffff  }
0x173: {  	vm1 =	vgt.f32 v11, v4;
	v5 =	vsel vm0, v11, v5;
	v6 =	vsel vm0, $0x33, v6  }
0x174: {  	v5 =	vsel vm1, v4, v5;
	v6 =	vsel vm1, v7, v6;
	v4 =	vsel vm1, v11, v4  }
0x175: {  	v7 =	vsel vm1, $0x33, v7;
	vm0 =	vgt.f32 v10, v4;
	vm1 =	vgt.f32 v10, v5;
	v11 =	vld.idx.msk [tilespmem:v14+s2+$0x0], $0xffff  }
0x176: {  	v5 =	vsel vm1, v10, v5;
	v6 =	vsel vm1, $0x34, v6;
	v10 =	vsel vm0, v10, v4  }
0x177: {  	v4 =	vsel vm0, v4, v5;
	v5 =	vsel vm0, v7, v6;
	v6 =	vsel vm0, $0x34, v7  }
0x178: {  	v12 =	vor.u32 $0x39, v3;
	vm0 =	vgt.f32 v9, v4;
	v7 =	vld.idx.msk [tilespmem:v13+s2+$0x0], $0xffff  }
0x179: {  	vm1 =	vgt.f32 v9, v10;
	v4 =	vsel vm0, v9, v4;
	v5 =	vsel vm0, $0x35, v5  }
0x17a: {  	v9 =	vsel vm1, v9, v10;
	v4 =	vsel vm1, v10, v4;
	v5 =	vsel vm1, v6, v5  }
0x17b: {  	v6 =	vsel vm1, $0x35, v6;
	v10 =	vor.u32 $0x3A, v3;
	vm0 =	vgt.f32 v11, v4;
	v8 =	vld.idx.msk [tilespmem:v8+s2+$0x0], $0xffff  }
0x17c: {  	vm1 =	vgt.f32 v11, v9;
	v4 =	vsel vm0, v11, v4;
	v5 =	vsel vm0, $0x36, v5  }
0x17d: {  	v4 =	vsel vm1, v9, v4;
	v5 =	vsel vm1, v6, v5;
	v9 =	vsel vm1, v11, v9  }
0x17e: {  	v6 =	vsel vm1, $0x36, v6;
	vm0 =	vgt.f32 v7, v4;
	v11 =	vld.idx.msk [tilespmem:v12+s2+$0x0], $0xffff;
	v12 =	vor.u32 $0x3B, v3  }
0x17f: {  	vm1 =	vgt.f32 v7, v9;
	v4 =	vsel vm0, v7, v4;
	v5 =	vsel vm0, $0x37, v5  }
0x180: {  	v7 =	vsel vm1, v7, v9;
	v4 =	vsel vm1, v9, v4;
	v5 =	vsel vm1, v6, v5  }
0x181: {  	v6 =	vsel vm1, $0x37, v6;
	vm0 =	vgt.f32 v8, v4;
	v9 =	vld.idx.msk [tilespmem:v10+s2+$0x0], $0xffff;
	v10 =	vor.u32 $0x3C, v3  }
0x182: {  	vm1 =	vgt.f32 v8, v7;
	v4 =	vsel vm0, v8, v4;
	v5 =	vsel vm0, $0x38, v5  }
0x183: {  	v4 =	vsel vm1, v7, v4;
	v5 =	vsel vm1, v6, v5;
	v7 =	vsel vm1, v8, v7  }
0x184: {  	v6 =	vsel vm1, $0x38, v6;
	vm0 =	vgt.f32 v11, v4;
	v8 =	vld.idx.msk [tilespmem:v12+s2+$0x0], $0xffff;
	v12 =	vor.u32 $0x3D, v3  }
0x185: {  	vm1 =	vgt.f32 v11, v7;
	v4 =	vsel vm0, v11, v4;
	v5 =	vsel vm0, $0x39, v5  }
0x186: {  	v4 =	vsel vm1, v7, v4;
	v5 =	vsel vm1, v6, v5;
	v7 =	vsel vm1, v11, v7  }
0x187: {  	v6 =	vsel vm1, $0x39, v6;
	v11 =	vor.u32 $0x3E, v3;
	vm0 =	vgt.f32 v9, v4;
	v10 =	vld.idx.msk [tilespmem:v10+s2+$0x0], $0xffff  }
0x188: {  	vm1 =	vgt.f32 v9, v7;
	v4 =	vsel vm0, v9, v4;
	v5 =	vsel vm0, $0x3A, v5  }
0x189: {  	v4 =	vsel vm1, v7, v4;
	v7 =	vsel vm1, v9, v7;
	v9 =	vsel vm1, $0x3A, v6  }
0x18a: {  	v3 =	vor.u32 $0x3F, v3;
	v5 =	vsel vm1, v6, v5;
	vm0 =	vgt.f32 v8, v4;
	v6 =	vld.idx.msk [tilespmem:v12+s2+$0x0], $0xffff  }
0x18b: {  	vm1 =	vgt.f32 v8, v7;
	v4 =	vsel vm0, v8, v4;
	v5 =	vsel vm0, $0x3B, v5  }
0x18c: {  	v4 =	vsel vm1, v7, v4;
	v5 =	vsel vm1, v9, v5;
	v7 =	vsel vm1, v8, v7  }
0x18d: {  	vm0 =	vgt.f32 v10, v4;
	v8 =	vld.idx.msk [tilespmem:v11+s2+$0x0], $0xffff  }
0x18e: {  	vm2 =	vgt.f32 v10, v7;
	v4 =	vsel vm0, v10, v4;
	v5 =	vsel vm0, $0x3C, v5  }
0x18f: {  	v9 =	vsel vm1, $0x3B, v9;
	v4 =	vsel vm2, v7, v4;
	v7 =	vsel vm2, v10, v7  }
0x190: {  	v5 =	vsel vm2, v9, v5;
	v10 =	vshll.u32 v2, $0x1;
	vm0 =	vgt.f32 v6, v4;
	v3 =	vld.idx.msk [tilespmem:v3+s2+$0x0], $0xffff  }
0x191: {  	vm1 =	vgt.f32 v6, v7;
	v2 =	vsel vm0, v6, v4;
	v4 =	vsel vm0, $0x3D, v5  }
0x192: {  	v5 =	vsel vm2, $0x3C, v9;
	v6 =	vsel vm1, v6, v7;
	v2 =	vsel vm1, v7, v2  }
0x193: {  	v4 =	vsel vm1, v5, v4;
	v5 =	vsel vm1, $0x3D, v5;
	vm0 =	vgt.f32 v8, v2  }
.Ltmp0:
0x194: {  	vm1 =	vgt.f32 v8, v6;
	v2 =	vsel vm0, v8, v2;
	v4 =	vsel vm0, $0x3E, v4;
	(pc) =	sbr.rel @p0 .LBB2_2-.Ltmp0, $4  }
0x195: {  	v7 =	vsel vm1, v6, v2;
	v9 =	vsel vm1, v5, v4;
	v2 =	vsel vm1, v8, v6  }
0x196: {  	v4 =	vsel vm1, $0x3E, v5;
	v5 =	vor.u32 $0x1, v10;
	vm0 =	vgt.f32 v3, v2  }
0x197: {  	v2 =	vor.u32 s10, v0;
	vm1 =	vgt.f32 v3, v7;
	v7 =	vsel vm0, $0x3F, v4  }
0x198: {  	v3 =	vshll.u32 v2, $0x6;
	v6 =	vsel vm1, $0x3F, v9;
	[tilespmem:v10+s7+$0x0] =	vst.idx.msk $0xffff, v7  }
0x199: {  	_ = 	snop  }
0x19a: {  	v7 =	vor.u32 $0x1, v3;
	_ =	sdelay $0x1  }
0x19b: {  	v4 =	vsel vm0, v4, v6  }
0x19c: {  	[tilespmem:v5+s7+$0x0] =	vst.idx.msk $0xffff, v4  }
0x19d: {  	v51 =	vor.u32 $0x2, v3;
	v4 =	vld.idx.msk [tilespmem:v3+s2+$0x0], $0xffff  }
0x19e: {  	v52 =	vld.idx.msk [tilespmem:v7+s2+$0x0], $0xffff;
	_ =	sdelay $0x1  }
0x19f: {  	v53 =	vor.u32 $0x3, v3;
	_ =	sdelay $0x1  }
0x1a0: {  	v8 =	vor.u32 $0x4, v3;
	v5 =	vld.idx.msk [tilespmem:v51+s2+$0x0], $0xffff;
	vm9 =	vgt.f32 v4, $-Inf  }
0x1a1: {  	v9 =	vnsel vm9, $0xFF800000, v4;
	vm10 =	vlt.f32 v52, $-Inf;
	vm1 =	vgt.f32 v52, $-Inf  }
0x1a2: {  	vm2 =	vgt.f32 v52, v9;
	vm0 =	vmor vm1, vm10  }
0x1a3: {  	v11 =	vor.u32 $0x6, v3;
	v7 =	vld.idx.msk [tilespmem:v53+s2+$0x0], $0xffff;
	vm11 =	vmneg vm2;
	v10 =	vnsel vm0, $0xFF800000, v52  }
0x1a4: {  	v12 =	vor.u32 $0x5, v3;
	v56 =	vor.u32 $0x7, v3;
	v10 =	vsel vm11, v10, v9  }
0x1a5: {  	v58 =	vor.u32 $0x8, v3;
	v6 =	vsel vm11, v9, v52;
	vm12 =	vgt.f32 v5, v10  }
0x1a6: {  	v60 =	vor.u32 $0x9, v3;
	v8 =	vld.idx.msk [tilespmem:v8+s2+$0x0], $0xffff;
	vm13 =	vgt.f32 v5, v6;
	v10 =	vsel vm12, v5, v10  }
0x1a7: {  	v61 =	vor.u32 $0xA, v3;
	v63 =	vor.u32 $0xB, v3;
	v10 =	vsel vm13, v6, v10  }
0x1a8: {  	v17 =	vor.u32 $0xC, v3;
	v5 =	vsel vm13, v5, v6;
	vm14 =	vgt.f32 v7, v10  }
0x1a9: {  	v19 =	vor.u32 $0xD, v3;
	v12 =	vld.idx.msk [tilespmem:v12+s2+$0x0], $0xffff;
	vm15 =	vgt.f32 v7, v5;
	v10 =	vsel vm14, v7, v10  }
0x1aa: {  	v14 =	vor.u32 $0xE, v3;
	v23 =	vor.u32 $0xF, v3;
	v10 =	vsel vm15, v5, v10  }
0x1ab: {  	v13 =	vsel vm2, $0x1, v1;
	v5 =	vsel vm15, v7, v5;
	vm4 =	vgt.f32 v8, v10  }
0x1ac: {  	v57 =	vld.idx.msk [tilespmem:v11+s2+$0x0], $0xffff;
	vm0 =	vmand vm0, vm11;
	vm5 =	vgt.f32 v8, v5;
	v10 =	vsel vm4, v8, v10  }
0x1ad: {  	v54 =	vsel vm0, $0x1, v1;
	v55 =	vsel vm13, $0x2, v13;
	v10 =	vsel vm5, v5, v10  }
0x1ae: {  	v9 =	vsel vm12, $0x2, v54;
	v5 =	vsel vm5, v8, v5;
	vm6 =	vgt.f32 v12, v10  }
0x1af: {  	v59 =	vld.idx.msk [tilespmem:v56+s2+$0x0], $0xffff;
	v9 =	vsel vm13, v13, v9;
	vm7 =	vgt.f32 v12, v5;
	v10 =	vsel vm6, v12, v10  }
0x1b0: {  	v6 =	vsel vm15, $0x3, v55;
	v9 =	vsel vm14, $0x3, v9;
	v10 =	vsel vm7, v5, v10  }
0x1b1: {  	v9 =	vsel vm15, v55, v9;
	v5 =	vsel vm7, v12, v5;
	vm8 =	vgt.f32 v57, v10  }
0x1b2: {  	v11 =	vld.idx.msk [tilespmem:v58+s2+$0x0], $0xffff;
	v9 =	vsel vm4, $0x4, v9;
	vm9 =	vgt.f32 v57, v5;
	v10 =	vsel vm8, v57, v10  }
0x1b3: {  	v25 =	vor.u32 $0x10, v3;
	v9 =	vsel vm5, v6, v9;
	v10 =	vsel vm9, v5, v10  }
0x1b4: {  	v6 =	vsel vm5, $0x4, v6;
	v5 =	vsel vm9, v57, v5;
	vm10 =	vgt.f32 v59, v10  }
0x1b5: {  	v62 =	vld.idx.msk [tilespmem:v60+s2+$0x0], $0xffff;
	v9 =	vsel vm6, $0x5, v9;
	vm11 =	vgt.f32 v59, v5;
	v10 =	vsel vm10, v59, v10  }
0x1b6: {  	v27 =	vor.u32 $0x11, v3;
	v9 =	vsel vm7, v6, v9;
	v10 =	vsel vm11, v5, v10  }
0x1b7: {  	v6 =	vsel vm7, $0x5, v6;
	v5 =	vsel vm11, v59, v5;
	vm12 =	vgt.f32 v11, v10  }
0x1b8: {  	v16 =	vld.idx.msk [tilespmem:v61+s2+$0x0], $0xffff;
	v9 =	vsel vm8, $0x6, v9;
	vm13 =	vgt.f32 v11, v5;
	v10 =	vsel vm12, v11, v10  }
0x1b9: {  	v29 =	vor.u32 $0x12, v3;
	v9 =	vsel vm9, v6, v9;
	v10 =	vsel vm13, v5, v10  }
0x1ba: {  	v6 =	vsel vm9, $0x6, v6;
	v5 =	vsel vm13, v11, v5;
	vm14 =	vgt.f32 v62, v10  }
0x1bb: {  	v18 =	vld.idx.msk [tilespmem:v63+s2+$0x0], $0xffff;
	v9 =	vsel vm10, $0x7, v9;
	vm15 =	vgt.f32 v62, v5;
	v10 =	vsel vm14, v62, v10  }
0x1bc: {  	v31 =	vor.u32 $0x13, v3;
	v9 =	vsel vm11, v6, v9;
	v10 =	vsel vm15, v5, v10  }
0x1bd: {  	v6 =	vsel vm11, $0x7, v6;
	v5 =	vsel vm15, v62, v5;
	vm4 =	vgt.f32 v16, v10  }
0x1be: {  	v21 =	vld.idx.msk [tilespmem:v17+s2+$0x0], $0xffff;
	v9 =	vsel vm12, $0x8, v9;
	vm5 =	vgt.f32 v16, v5;
	v10 =	vsel vm4, v16, v10  }
0x1bf: {  	v33 =	vor.u32 $0x14, v3;
	v9 =	vsel vm13, v6, v9;
	v10 =	vsel vm5, v5, v10  }
0x1c0: {  	v6 =	vsel vm13, $0x8, v6;
	v5 =	vsel vm5, v16, v5;
	vm6 =	vgt.f32 v18, v10  }
0x1c1: {  	v22 =	vld.idx.msk [tilespmem:v19+s2+$0x0], $0xffff;
	v9 =	vsel vm14, $0x9, v9;
	vm7 =	vgt.f32 v18, v5;
	v10 =	vsel vm6, v18, v10  }
0x1c2: {  	v34 =	vor.u32 $0x15, v3;
	v20 =	vsel vm15, v6, v9;
	v10 =	vsel vm7, v5, v10  }
0x1c3: {  	v6 =	vsel vm15, $0x9, v6;
	v5 =	vsel vm7, v18, v5;
	vm8 =	vgt.f32 v21, v10  }
0x1c4: {  	v24 =	vld.idx.msk [tilespmem:v14+s2+$0x0], $0xffff;
	v7 =	vsel vm4, $0xA, v20;
	vm9 =	vgt.f32 v21, v5;
	v10 =	vsel vm8, v21, v10  }
0x1c5: {  	v35 =	vor.u32 $0x19, v3;
	v7 =	vsel vm5, v6, v7;
	v10 =	vsel vm9, v5, v10  }
0x1c6: {  	v6 =	vsel vm5, $0xA, v6;
	v5 =	vsel vm9, v21, v5;
	vm10 =	vgt.f32 v22, v10  }
0x1c7: {  	v26 =	vld.idx.msk [tilespmem:v23+s2+$0x0], $0xffff;
	v7 =	vsel vm6, $0xB, v7;
	vm11 =	vgt.f32 v22, v5;
	v10 =	vsel vm10, v22, v10  }
0x1c8: {  	v36 =	vor.u32 $0x16, v3;
	v7 =	vsel vm7, v6, v7;
	v10 =	vsel vm11, v5, v10  }
0x1c9: {  	v6 =	vsel vm7, $0xB, v6;
	v5 =	vsel vm11, v22, v5;
	vm12 =	vgt.f32 v24, v10  }
0x1ca: {  	v28 =	vld.idx.msk [tilespmem:v25+s2+$0x0], $0xffff;
	v7 =	vsel vm8, $0xC, v7;
	vm13 =	vgt.f32 v24, v5;
	v10 =	vsel vm12, v24, v10  }
0x1cb: {  	v38 =	vor.u32 $0x17, v3;
	v7 =	vsel vm9, v6, v7;
	v10 =	vsel vm13, v5, v10  }
0x1cc: {  	v6 =	vsel vm9, $0xC, v6;
	v5 =	vsel vm13, v24, v5;
	vm14 =	vgt.f32 v26, v10  }
0x1cd: {  	v30 =	vld.idx.msk [tilespmem:v27+s2+$0x0], $0xffff;
	v7 =	vsel vm10, $0xD, v7;
	vm15 =	vgt.f32 v26, v5;
	v10 =	vsel vm14, v26, v10  }
0x1ce: {  	v39 =	vor.u32 $0x18, v3;
	v7 =	vsel vm11, v6, v7;
	v10 =	vsel vm15, v5, v10  }
0x1cf: {  	v6 =	vsel vm11, $0xD, v6;
	v5 =	vsel vm15, v26, v5;
	vm4 =	vgt.f32 v28, v10  }
0x1d0: {  	v32 =	vld.idx.msk [tilespmem:v29+s2+$0x0], $0xffff;
	v7 =	vsel vm12, $0xE, v7;
	vm5 =	vgt.f32 v28, v5;
	v10 =	vsel vm4, v28, v10  }
0x1d1: {  	v45 =	vor.u32 $0x1A, v3;
	v7 =	vsel vm13, v6, v7;
	v10 =	vsel vm5, v5, v10  }
0x1d2: {  	v6 =	vsel vm13, $0xE, v6;
	v5 =	vsel vm5, v28, v5;
	vm6 =	vgt.f32 v30, v10  }
0x1d3: {  	v12 =	vld.idx.msk [tilespmem:v31+s2+$0x0], $0xffff;
	v7 =	vsel vm14, $0xF, v7;
	vm7 =	vgt.f32 v30, v5;
	v10 =	vsel vm6, v30, v10  }
0x1d4: {  	v46 =	vor.u32 $0x1D, v3;
	v7 =	vsel vm15, v6, v7;
	v10 =	vsel vm7, v5, v10  }
0x1d5: {  	v6 =	vsel vm15, $0xF, v6;
	v5 =	vsel vm7, v30, v5;
	vm8 =	vgt.f32 v32, v10  }
0x1d6: {  	v13 =	vld.idx.msk [tilespmem:v33+s2+$0x0], $0xffff;
	v7 =	vsel vm4, $0x10, v7;
	vm9 =	vgt.f32 v32, v5;
	v10 =	vsel vm8, v32, v10  }
0x1d7: {  	v47 =	vor.u32 $0x1B, v3;
	v7 =	vsel vm5, v6, v7;
	v10 =	vsel vm9, v5, v10  }
0x1d8: {  	v6 =	vsel vm5, $0x10, v6;
	v5 =	vsel vm9, v32, v5;
	vm10 =	vgt.f32 v12, v10  }
0x1d9: {  	v8 =	vld.idx.msk [tilespmem:v34+s2+$0x0], $0xffff;
	v7 =	vsel vm6, $0x11, v7;
	vm11 =	vgt.f32 v12, v5;
	v37 =	vsel vm10, v12, v10  }
0x1da: {  	v7 =	vsel vm7, v6, v7;
	v6 =	vsel vm7, $0x11, v6;
	v9 =	vsel vm11, v5, v37  }
0x1db: {  	v7 =	vsel vm8, $0x12, v7;
	v5 =	vsel vm11, v12, v5;
	vm12 =	vgt.f32 v13, v9  }
0x1dc: {  	v14 =	vld.idx.msk [tilespmem:v36+s2+$0x0], $0xffff;
	v7 =	vsel vm9, v6, v7;
	vm13 =	vgt.f32 v13, v5;
	v9 =	vsel vm12, v13, v9  }
0x1dd: {  	v6 =	vsel vm9, $0x12, v6;
	v7 =	vsel vm10, $0x13, v7;
	v40 =	vsel vm13, v5, v9  }
0x1de: {  	v15 =	vsel vm11, $0x13, v6;
	v5 =	vsel vm13, v13, v5;
	vm14 =	vgt.f32 v8, v40  }
0x1df: {  	v41 =	vld.idx.msk [tilespmem:v38+s2+$0x0], $0xffff;
	v6 =	vsel vm11, v6, v7;
	vm15 =	vgt.f32 v8, v5;
	v7 =	vsel vm14, v8, v40  }
0x1e0: {  	v48 =	vor.u32 $0x1C, v3;
	v2 =	vshll.u32 v2, $0x1;
	v7 =	vsel vm15, v5, v7  }
0x1e1: {  	v56 =	vor.u32 $0x20, v3;
	v5 =	vsel vm15, v8, v5;
	vm4 =	vgt.f32 v14, v7  }
0x1e2: {  	v44 =	vld.idx.msk [tilespmem:v39+s2+$0x0], $0xffff;
	v60 =	vor.u32 $0x23, v3;
	vm5 =	vgt.f32 v14, v5;
	v7 =	vsel vm4, v14, v7  }
0x1e3: {  	v61 =	vor.u32 $0x24, v3;
	v17 =	vor.u32 $0x27, v3;
	v7 =	vsel vm5, v5, v7  }
0x1e4: {  	v23 =	vor.u32 $0x2B, v3;
	v5 =	vsel vm5, v14, v5;
	vm6 =	vgt.f32 v41, v7  }
0x1e5: {  	v39 =	vor.u32 $0x33, v3;
	v11 =	vld.idx.msk [tilespmem:v35+s2+$0x0], $0xffff;
	vm7 =	vgt.f32 v41, v5;
	v7 =	vsel vm6, v41, v7  }
0x1e6: {  	v53 =	vld.idx.msk [tilespmem:v46+s2+$0x0], $0xffff;
	v46 =	vor.u32 $0x37, v3;
	v4 =	vor.u32 $0x2E, v3;
	v7 =	vsel vm7, v5, v7  }
0x1e7: {  	v52 =	vor.u32 $0x1E, v3;
	v5 =	vsel vm7, v41, v5;
	vm8 =	vgt.f32 v44, v7  }
0x1e8: {  	v54 =	vor.u32 $0x1F, v3;
	v12 =	vld.idx.msk [tilespmem:v45+s2+$0x0], $0xffff;
	vm9 =	vgt.f32 v44, v5;
	v7 =	vsel vm8, v44, v7  }
0x1e9: {  	v33 =	vor.u32 $0x30, v3;
	v6 =	vsel vm12, $0x14, v6;
	v7 =	vsel vm9, v5, v7  }
0x1ea: {  	v42 =	vsel vm13, $0x14, v15;
	v5 =	vsel vm9, v44, v5;
	vm10 =	vgt.f32 v11, v7  }
0x1eb: {  	v50 =	vld.idx.msk [tilespmem:v47+s2+$0x0], $0xffff;
	v6 =	vsel vm13, v15, v6;
	vm11 =	vgt.f32 v11, v5;
	v7 =	vsel vm10, v11, v7  }
0x1ec: {  	v6 =	vsel vm14, $0x15, v6;
	v43 =	vsel vm15, $0x15, v42;
	v7 =	vsel vm11, v5, v7  }
0x1ed: {  	v6 =	vsel vm15, v42, v6;
	v5 =	vsel vm11, v11, v5;
	vm12 =	vgt.f32 v12, v7  }
0x1ee: {  	v9 =	vld.idx.msk [tilespmem:v48+s2+$0x0], $0xffff;
	v6 =	vsel vm4, $0x16, v6;
	vm13 =	vgt.f32 v12, v5;
	v7 =	vsel vm12, v12, v7  }
0x1ef: {  	v8 =	vsel vm5, $0x16, v43;
	v6 =	vsel vm5, v43, v6;
	v7 =	vsel vm13, v5, v7  }
0x1f0: {  	v6 =	vsel vm6, $0x17, v6;
	v5 =	vsel vm13, v12, v5;
	vm14 =	vgt.f32 v50, v7  }
0x1f1: {  	v6 =	vsel vm7, v8, v6;
	vm15 =	vgt.f32 v50, v5;
	v7 =	vsel vm14, v50, v7  }
0x1f2: {  	v49 =	vsel vm7, $0x17, v8;
	v6 =	vsel vm8, $0x18, v6;
	v7 =	vsel vm15, v5, v7  }
0x1f3: {  	v51 =	vsel vm9, $0x18, v49;
	v5 =	vsel vm15, v50, v5;
	vm4 =	vgt.f32 v9, v7  }
0x1f4: {  	v6 =	vsel vm9, v49, v6;
	v11 =	vld.idx.msk [tilespmem:v52+s2+$0x0], $0xffff;
	vm5 =	vgt.f32 v9, v5;
	v7 =	vsel vm4, v9, v7  }
0x1f5: {  	v6 =	vsel vm10, $0x19, v6;
	v10 =	vsel vm11, $0x19, v51;
	v7 =	vsel vm5, v5, v7  }
0x1f6: {  	v6 =	vsel vm11, v51, v6;
	v5 =	vsel vm5, v9, v5;
	vm6 =	vgt.f32 v53, v7  }
0x1f7: {  	v57 =	vld.idx.msk [tilespmem:v54+s2+$0x0], $0xffff;
	v6 =	vsel vm12, $0x1A, v6;
	vm7 =	vgt.f32 v53, v5;
	v7 =	vsel vm6, v53, v7  }
0x1f8: {  	v55 =	vor.u32 $0x21, v3;
	v6 =	vsel vm13, v10, v6;
	v7 =	vsel vm7, v5, v7  }
0x1f9: {  	v10 =	vsel vm13, $0x1A, v10;
	v5 =	vsel vm7, v53, v5;
	vm8 =	vgt.f32 v11, v7  }
0x1fa: {  	v58 =	vld.idx.msk [tilespmem:v56+s2+$0x0], $0xffff;
	v6 =	vsel vm14, $0x1B, v6;
	vm9 =	vgt.f32 v11, v5;
	v7 =	vsel vm8, v11, v7  }
0x1fb: {  	v59 =	vor.u32 $0x22, v3;
	v6 =	vsel vm15, v10, v6;
	v7 =	vsel vm9, v5, v7  }
0x1fc: {  	v10 =	vsel vm15, $0x1B, v10;
	v5 =	vsel vm9, v11, v5;
	vm10 =	vgt.f32 v57, v7  }
0x1fd: {  	v8 =	vld.idx.msk [tilespmem:v55+s2+$0x0], $0xffff;
	v6 =	vsel vm4, $0x1C, v6;
	vm11 =	vgt.f32 v57, v5;
	v7 =	vsel vm10, v57, v7  }
0x1fe: {  	v31 =	vor.u32 $0x32, v3;
	v6 =	vsel vm5, v10, v6;
	v7 =	vsel vm11, v5, v7  }
0x1ff: {  	v10 =	vsel vm5, $0x1C, v10;
	v5 =	vsel vm11, v57, v5;
	vm12 =	vgt.f32 v58, v7  }
0x200: {  	v13 =	vld.idx.msk [tilespmem:v59+s2+$0x0], $0xffff;
	v6 =	vsel vm6, $0x1D, v6;
	vm13 =	vgt.f32 v58, v5;
	v7 =	vsel vm12, v58, v7  }
0x201: {  	v62 =	vor.u32 $0x25, v3;
	v6 =	vsel vm7, v10, v6;
	v7 =	vsel vm13, v5, v7  }
0x202: {  	v10 =	vsel vm7, $0x1D, v10;
	v5 =	vsel vm13, v58, v5;
	vm14 =	vgt.f32 v8, v7  }
0x203: {  	v6 =	vsel vm8, $0x1E, v6;
	v11 =	vld.idx.msk [tilespmem:v60+s2+$0x0], $0xffff;
	vm15 =	vgt.f32 v8, v5;
	v7 =	vsel vm14, v8, v7  }
0x204: {  	v16 =	vor.u32 $0x26, v3;
	v6 =	vsel vm9, v10, v6;
	v7 =	vsel vm15, v5, v7  }
0x205: {  	v10 =	vsel vm9, $0x1E, v10;
	v5 =	vsel vm15, v8, v5;
	vm4 =	vgt.f32 v13, v7  }
0x206: {  	v9 =	vld.idx.msk [tilespmem:v61+s2+$0x0], $0xffff;
	v6 =	vsel vm10, $0x1F, v6;
	vm5 =	vgt.f32 v13, v5;
	v7 =	vsel vm4, v13, v7  }
0x207: {  	v6 =	vsel vm11, v10, v6;
	v10 =	vsel vm11, $0x1F, v10;
	v7 =	vsel vm5, v5, v7  }
0x208: {  	v6 =	vsel vm12, $0x20, v6;
	v5 =	vsel vm5, v13, v5;
	vm6 =	vgt.f32 v11, v7  }
0x209: {  	v12 =	vld.idx.msk [tilespmem:v62+s2+$0x0], $0xffff;
	v6 =	vsel vm13, v10, v6;
	vm7 =	vgt.f32 v11, v5;
	v7 =	vsel vm6, v11, v7  }
0x20a: {  	v10 =	vsel vm13, $0x20, v10;
	v6 =	vsel vm14, $0x21, v6;
	v7 =	vsel vm7, v5, v7  }
0x20b: {  	v63 =	vsel vm15, $0x21, v10;
	v5 =	vsel vm7, v11, v5;
	vm8 =	vgt.f32 v9, v7  }
0x20c: {  	v6 =	vsel vm15, v10, v6;
	v10 =	vld.idx.msk [tilespmem:v16+s2+$0x0], $0xffff;
	vm9 =	vgt.f32 v9, v5;
	v7 =	vsel vm8, v9, v7  }
0x20d: {  	v35 =	vor.u32 $0x31, v3;
	v18 =	vor.u32 $0x28, v3;
	v7 =	vsel vm9, v5, v7  }
0x20e: {  	v20 =	vor.u32 $0x29, v3;
	v5 =	vsel vm9, v9, v5;
	vm10 =	vgt.f32 v12, v7  }
0x20f: {  	v19 =	vld.idx.msk [tilespmem:v17+s2+$0x0], $0xffff;
	v21 =	vor.u32 $0x2A, v3;
	vm11 =	vgt.f32 v12, v5;
	v7 =	vsel vm10, v12, v7  }
0x210: {  	v24 =	vor.u32 $0x2C, v3;
	v28 =	vor.u32 $0x2D, v3;
	v7 =	vsel vm11, v5, v7  }
0x211: {  	v32 =	vor.u32 $0x2F, v3;
	v5 =	vsel vm11, v12, v5;
	vm12 =	vgt.f32 v10, v7  }
0x212: {  	v37 =	vor.u32 $0x38, v3;
	v11 =	vld.idx.msk [tilespmem:v18+s2+$0x0], $0xffff;
	vm13 =	vgt.f32 v10, v5;
	v7 =	vsel vm12, v10, v7  }
0x213: {  	v6 =	vsel vm4, $0x22, v6;
	v8 =	vsel vm5, $0x22, v63;
	v7 =	vsel vm13, v5, v7  }
0x214: {  	v6 =	vsel vm5, v63, v6;
	v5 =	vsel vm13, v10, v5;
	vm14 =	vgt.f32 v19, v7  }
0x215: {  	v22 =	vld.idx.msk [tilespmem:v20+s2+$0x0], $0xffff;
	v6 =	vsel vm6, $0x23, v6;
	vm15 =	vgt.f32 v19, v5;
	v7 =	vsel vm14, v19, v7  }
0x216: {  	v45 =	vor.u32 $0x36, v3;
	v6 =	vsel vm7, v8, v6;
	v7 =	vsel vm15, v5, v7  }
0x217: {  	v8 =	vsel vm7, $0x23, v8;
	v5 =	vsel vm15, v19, v5;
	vm4 =	vgt.f32 v11, v7  }
0x218: {  	v25 =	vld.idx.msk [tilespmem:v21+s2+$0x0], $0xffff;
	v6 =	vsel vm8, $0x24, v6;
	vm5 =	vgt.f32 v11, v5;
	v7 =	vsel vm4, v11, v7  }
0x219: {  	v6 =	vsel vm9, v8, v6;
	v8 =	vsel vm9, $0x24, v8;
	v7 =	vsel vm5, v5, v7  }
0x21a: {  	v6 =	vsel vm10, $0x25, v6;
	v5 =	vsel vm5, v11, v5;
	vm6 =	vgt.f32 v22, v7  }
0x21b: {  	v27 =	vld.idx.msk [tilespmem:v23+s2+$0x0], $0xffff;
	v6 =	vsel vm11, v8, v6;
	vm7 =	vgt.f32 v22, v5;
	v7 =	vsel vm6, v22, v7  }
0x21c: {  	v8 =	vsel vm11, $0x25, v8;
	v6 =	vsel vm12, $0x26, v6;
	v7 =	vsel vm7, v5, v7  }
0x21d: {  	v6 =	vsel vm13, v8, v6;
	v5 =	vsel vm7, v22, v5;
	vm8 =	vgt.f32 v25, v7  }
0x21e: {  	v30 =	vld.idx.msk [tilespmem:v24+s2+$0x0], $0xffff;
	v8 =	vsel vm13, $0x26, v8;
	vm9 =	vgt.f32 v25, v5;
	v7 =	vsel vm8, v25, v7  }
0x21f: {  	v6 =	vsel vm14, $0x27, v6;
	v9 =	vsel vm9, v25, v5;
	v5 =	vsel vm9, v5, v7  }
0x220: {  	v41 =	vor.u32 $0x34, v3;
	v6 =	vsel vm15, v8, v6;
	vm10 =	vgt.f32 v27, v5  }
0x221: {  	v12 =	vld.idx.msk [tilespmem:v28+s2+$0x0], $0xffff;
	v8 =	vsel vm15, $0x27, v8;
	vm11 =	vgt.f32 v27, v9;
	v5 =	vsel vm10, v27, v5  }
0x222: {  	v6 =	vsel vm4, $0x28, v6;
	v26 =	vsel vm5, $0x28, v8;
	v5 =	vsel vm11, v9, v5  }
0x223: {  	v6 =	vsel vm5, v8, v6;
	v8 =	vsel vm11, v27, v9;
	vm12 =	vgt.f32 v30, v5  }
0x224: {  	v4 =	vld.idx.msk [tilespmem:v4+s2+$0x0], $0xffff;
	v55 =	vor.u32 $0x3D, v3;
	vm13 =	vgt.f32 v30, v8;
	v5 =	vsel vm12, v30, v5  }
0x225: {  	v44 =	vor.u32 $0x35, v3;
	v6 =	vsel vm6, $0x29, v6;
	v5 =	vsel vm13, v8, v5  }
0x226: {  	v29 =	vsel vm7, $0x29, v26;
	v8 =	vsel vm13, v30, v8;
	vm14 =	vgt.f32 v12, v5  }
0x227: {  	v34 =	vld.idx.msk [tilespmem:v32+s2+$0x0], $0xffff;
	v6 =	vsel vm7, v26, v6;
	vm15 =	vgt.f32 v12, v8;
	v5 =	vsel vm14, v12, v5  }
0x228: {  	v6 =	vsel vm8, $0x2A, v6;
	v10 =	vsel vm9, $0x2A, v29;
	v5 =	vsel vm15, v8, v5  }
0x229: {  	v6 =	vsel vm9, v29, v6;
	v8 =	vsel vm15, v12, v8;
	vm4 =	vgt.f32 v4, v5  }
0x22a: {  	v6 =	vsel vm10, $0x2B, v6;
	v9 =	vld.idx.msk [tilespmem:v33+s2+$0x0], $0xffff;
	vm5 =	vgt.f32 v4, v8;
	v5 =	vsel vm4, v4, v5  }
0x22b: {  	v49 =	vor.u32 $0x39, v3;
	v6 =	vsel vm11, v10, v6;
	v5 =	vsel vm5, v8, v5  }
0x22c: {  	v10 =	vsel vm11, $0x2B, v10;
	v4 =	vsel vm5, v4, v8;
	vm6 =	vgt.f32 v34, v5  }
0x22d: {  	v38 =	vld.idx.msk [tilespmem:v35+s2+$0x0], $0xffff;
	v6 =	vsel vm12, $0x2C, v6;
	vm7 =	vgt.f32 v34, v4;
	v5 =	vsel vm6, v34, v5  }
0x22e: {  	v51 =	vor.u32 $0x3B, v3;
	v6 =	vsel vm13, v10, v6;
	v5 =	vsel vm7, v4, v5  }
0x22f: {  	v10 =	vsel vm13, $0x2C, v10;
	v4 =	vsel vm7, v34, v4;
	vm8 =	vgt.f32 v9, v5  }
0x230: {  	v7 =	vld.idx.msk [tilespmem:v31+s2+$0x0], $0xffff;
	v6 =	vsel vm14, $0x2D, v6;
	vm9 =	vgt.f32 v9, v4;
	v5 =	vsel vm8, v9, v5  }
0x231: {  	v50 =	vor.u32 $0x3A, v3;
	v6 =	vsel vm15, v10, v6;
	v5 =	vsel vm9, v4, v5  }
0x232: {  	v10 =	vsel vm15, $0x2D, v10;
	v4 =	vsel vm9, v9, v4;
	vm10 =	vgt.f32 v38, v5  }
0x233: {  	v43 =	vld.idx.msk [tilespmem:v39+s2+$0x0], $0xffff;
	v6 =	vsel vm4, $0x2E, v6;
	vm11 =	vgt.f32 v38, v4;
	v5 =	vsel vm10, v38, v5  }
0x234: {  	v36 =	vsel vm5, $0x2E, v10;
	v6 =	vsel vm5, v10, v6;
	v5 =	vsel vm11, v4, v5  }
0x235: {  	v6 =	vsel vm6, $0x2F, v6;
	v4 =	vsel vm11, v38, v4;
	vm12 =	vgt.f32 v7, v5  }
0x236: {  	v12 =	vld.idx.msk [tilespmem:v41+s2+$0x0], $0xffff;
	v6 =	vsel vm7, v36, v6;
	vm13 =	vgt.f32 v7, v4;
	v5 =	vsel vm12, v7, v5  }
0x237: {  	v40 =	vsel vm7, $0x2F, v36;
	v6 =	vsel vm8, $0x30, v6;
	v5 =	vsel vm13, v4, v5  }
0x238: {  	v42 =	vsel vm9, $0x30, v40;
	v4 =	vsel vm13, v7, v4;
	vm14 =	vgt.f32 v43, v5  }
0x239: {  	v13 =	vld.idx.msk [tilespmem:v44+s2+$0x0], $0xffff;
	v6 =	vsel vm9, v40, v6;
	vm15 =	vgt.f32 v43, v4;
	v5 =	vsel vm14, v43, v5  }
0x23a: {  	v6 =	vsel vm10, $0x31, v6;
	v9 =	vsel vm11, $0x31, v42;
	v5 =	vsel vm15, v4, v5  }
0x23b: {  	v6 =	vsel vm11, v42, v6;
	v4 =	vsel vm15, v43, v4;
	vm4 =	vgt.f32 v12, v5  }
0x23c: {  	v10 =	vld.idx.msk [tilespmem:v45+s2+$0x0], $0xffff;
	v6 =	vsel vm12, $0x32, v6;
	vm5 =	vgt.f32 v12, v4;
	v5 =	vsel vm4, v12, v5  }
0x23d: {  	v6 =	vsel vm13, v9, v6;
	v11 =	vsel vm5, v12, v4;
	v4 =	vsel vm5, v4, v5  }
0x23e: {  	v9 =	vsel vm13, $0x32, v9;
	v6 =	vsel vm14, $0x33, v6;
	vm6 =	vgt.f32 v13, v4  }
0x23f: {  	v7 =	vld.idx.msk [tilespmem:v46+s2+$0x0], $0xffff;
	v6 =	vsel vm15, v9, v6;
	vm7 =	vgt.f32 v13, v11;
	v4 =	vsel vm6, v13, v4  }
0x240: {  	v9 =	vsel vm15, $0x33, v9;
	v6 =	vsel vm4, $0x34, v6;
	v4 =	vsel vm7, v11, v4  }
0x241: {  	v48 =	vsel vm5, $0x34, v9;
	v11 =	vsel vm7, v13, v11;
	vm8 =	vgt.f32 v10, v4  }
0x242: {  	v8 =	vld.idx.msk [tilespmem:v37+s2+$0x0], $0xffff;
	v47 =	vsel vm5, v9, v6;
	vm9 =	vgt.f32 v10, v11;
	v4 =	vsel vm8, v10, v4  }
0x243: {  	v6 =	vsel vm7, $0x35, v48;
	v5 =	vsel vm6, $0x35, v47;
	v4 =	vsel vm9, v11, v4  }
0x244: {  	v5 =	vsel vm7, v48, v5;
	v10 =	vsel vm9, v10, v11;
	vm10 =	vgt.f32 v7, v4  }
0x245: {  	v9 =	vld.idx.msk [tilespmem:v49+s2+$0x0], $0xffff;
	v5 =	vsel vm8, $0x36, v5;
	vm11 =	vgt.f32 v7, v10;
	v4 =	vsel vm10, v7, v4  }
0x246: {  	v53 =	vor.u32 $0x3C, v3;
	v5 =	vsel vm9, v6, v5;
	v4 =	vsel vm11, v10, v4  }
0x247: {  	v6 =	vsel vm9, $0x36, v6;
	v7 =	vsel vm11, v7, v10;
	vm12 =	vgt.f32 v8, v4  }
0x248: {  	v52 =	vld.idx.msk [tilespmem:v50+s2+$0x0], $0xffff;
	v5 =	vsel vm10, $0x37, v5;
	vm13 =	vgt.f32 v8, v7;
	v4 =	vsel vm12, v8, v4  }
0x249: {  	v57 =	vor.u32 $0x3E, v3;
	v5 =	vsel vm11, v6, v5;
	v4 =	vsel vm13, v7, v4  }
0x24a: {  	v6 =	vsel vm11, $0x37, v6;
	v7 =	vsel vm13, v8, v7;
	vm14 =	vgt.f32 v9, v4  }
0x24b: {  	v54 =	vld.idx.msk [tilespmem:v51+s2+$0x0], $0xffff;
	v5 =	vsel vm12, $0x38, v5;
	vm15 =	vgt.f32 v9, v7;
	v4 =	vsel vm14, v9, v4  }
0x24c: {  	v3 =	vor.u32 $0x3F, v3;
	v5 =	vsel vm13, v6, v5;
	v4 =	vsel vm15, v7, v4  }
0x24d: {  	v6 =	vsel vm13, $0x38, v6;
	v7 =	vsel vm15, v9, v7;
	vm4 =	vgt.f32 v52, v4  }
0x24e: {  	v56 =	vld.idx.msk [tilespmem:v53+s2+$0x0], $0xffff;
	v5 =	vsel vm14, $0x39, v5;
	vm5 =	vgt.f32 v52, v7;
	v4 =	vsel vm4, v52, v4  }
0x24f: {  	v63 =	vor.u32 $0x1, v2;
	v5 =	vsel vm15, v6, v5;
	v4 =	vsel vm5, v7, v4  }
0x250: {  	v6 =	vsel vm15, $0x39, v6;
	v7 =	vsel vm5, v52, v7;
	vm6 =	vgt.f32 v54, v4  }
0x251: {  	v59 =	vld.idx.msk [tilespmem:v55+s2+$0x0], $0xffff;
	v5 =	vsel vm4, $0x3A, v5;
	vm7 =	vgt.f32 v54, v7;
	v4 =	vsel vm6, v54, v4  }
0x252: {  	v58 =	vsel vm5, $0x3A, v6;
	v5 =	vsel vm5, v6, v5;
	v4 =	vsel vm7, v7, v4  }
0x253: {  	v5 =	vsel vm6, $0x3B, v5;
	v7 =	vsel vm7, v54, v7;
	vm8 =	vgt.f32 v56, v4  }
0x254: {  	v60 =	vld.idx.msk [tilespmem:v57+s2+$0x0], $0xffff;
	v5 =	vsel vm7, v58, v5;
	vm9 =	vgt.f32 v56, v7;
	v4 =	vsel vm8, v56, v4  }
0x255: {  	v10 =	vsel vm7, $0x3B, v58;
	v5 =	vsel vm8, $0x3C, v5;
	v4 =	vsel vm9, v7, v4  }
0x256: {  	v61 =	vsel vm9, $0x3C, v10;
	v7 =	vsel vm9, v56, v7;
	vm10 =	vgt.f32 v59, v4  }
0x257: {  	v3 =	vld.idx.msk [tilespmem:v3+s2+$0x0], $0xffff;
	v5 =	vsel vm9, v10, v5;
	vm11 =	vgt.f32 v59, v7;
	v4 =	vsel vm10, v59, v4  }
0x258: {  	v5 =	vsel vm10, $0x3D, v5;
	v6 =	vsel vm11, v59, v7;
	v4 =	vsel vm11, v7, v4  }
0x259: {  	v62 =	vsel vm11, $0x3D, v61;
	vm13 =	vgt.f32 v60, v6;
	vm12 =	vgt.f32 v60, v4  }
0x25a: {  	v5 =	vsel vm11, v61, v5;
	v7 =	vsel vm13, $0x3E, v62;
	v4 =	vsel vm12, v60, v4  }
0x25b: {  	v5 =	vsel vm12, $0x3E, v5;
	v4 =	vsel vm13, v6, v4;
	v6 =	vsel vm13, v60, v6  }
0x25c: {  	v5 =	vsel vm13, v62, v5;
	vm14 =	vgt.f32 v3, v6;
	vm15 =	vgt.f32 v3, v4  }
0x25d: {  	s8 =	sadd.s32 $0x1, s8;
	v3 =	vsel vm14, $0x3F, v7;
	v4 =	vsel vm15, $0x3F, v5  }
0x25e: {  	p0 =	sne.s32 s8, s5;
	[tilespmem:v2+s7+$0x0] =	vst.idx.msk $0xffff, v3;
	v2 =	vsel vm14, v7, v4  }
.Ltmp1:
0x25f: {  	[tilespmem:v63+s7+$0x0] =	vst.idx.msk $0xffff, v2;
	(pc) =	sbr.rel @p0 .LBB2_1-.Ltmp1, $4  }
0x260: {  	[hbm4b:s4+s2] =	stream.linear.scatter [tilespmem:s7], [sflag:$0x1], $0x800, $0x38;
	[tilespmem:$0x10800] =	vst v63  }
0x261: {  	_ =	swait.ge [sflag:s6], $0x800  }
0x262: {  	[sflag:s6] =	ssyncset.done $0x0  }
0x263: {  	[sflag:s6] =	ssyncadd.s32 $0xFFFFF800  }
0x264: {  	_ =	sfence.sel $0x180000  }
0x265: {  	[bflag:$0x0] =	sbarrier.arrive $0xFFFF  }
0x266: {  	p0 =	sne.s32 s1, $0x0;
	_ =	strace $0x90000047  }
0x267: {  	s0 =	sadd.s32 @!p0 $0x100000, s0;
	[bflag:$0x2] =	sbarrier.arrive $0xFFFF  }
0x268: {  	[sflag:s0] =	ssyncadd.tile.s32 @!p0 $0x1;
	_ =	shalt  }
.Lfunc_end2:
_tile_overlayer_lowered:
.L_overlay_start_2:
0x269: {  	(tag) =	ssettag $0x2  }
0x26a: {  	s0 =	rddreg [dreg:$0x0];
	s2 =	stileid.u32  }
0x26b: {  	s1 =	rddreg [dreg:$0x1];
	p0 =	sne.s32 s2, $0x0  }
0x26c: {  	s3 =	rddreg [dreg:$0x2];
	[bflag:$0x3] =	sbarrier.arrive $0xFFFF;
	s2 =	simm.s32 @!p0 $0x1C01  }
0x26d: {  	[timem:s3], [sflag:s2] =	dma.local @!p0 [hbm:s0], s1  }
0x26e: {  	s0 =	simm.s32 @!p0 $0x1  }
0x26f: {  	_ =	swait.ge @!p0 [sflag:s0], s1  }
0x270: {  	s1 =	ssub.s32 @!p0 $0x0, s1;
	[sflag:s0] =	ssyncset.done @!p0 $0x0  }
0x271: {  	[sflag:s0] =	ssyncadd.s32 @!p0 s1  }
0x272: {  	[bflag:$0x3] =	sbarrier.arrive $0xFFFF  }
0x273: {  	_ =	shalt  }

</sc_bundles>
